<compile_context>
chip_gen: v7x
topology: tpu7x:2x2x1
jax: 0.10.2.dev20260603
libtpu: 0.0.44.dev20260713+nightly
codegen_flags: <defaults>
</compile_context>

<pallas_src>
import jax
import jax.numpy as jnp
from jax import lax
from jax.experimental import pallas as pl
from jax.experimental.pallas import tpu as pltpu
from jax.experimental.pallas import tpu_sc as plsc

TOKENS = 4096
D_IN = 2048
D_HID = 2048
N_EXP = 8
K_TOP = 2

BM_A = 1024
BN_C = 256
BM_C = TOKENS

SC_NC = 2
SC_NS = 16
SC_L = 16
SC_NW = SC_NC * SC_NS
SC_TPW = TOKENS // SC_NW


def _gating_body(x_ref, wg_ref, bg_ref, pt_ref, xbf_ref):
    xv = x_ref[...]
    logits = jnp.dot(xv, wg_ref[...], preferred_element_type=jnp.float32)
    logits = logits + bg_ref[...]
    m = jnp.max(logits, axis=1, keepdims=True)
    e = jnp.exp(logits - m)
    p = e / jnp.sum(e, axis=1, keepdims=True)
    pt_ref[...] = p.T
    xbf_ref[...] = xv.astype(jnp.bfloat16)


def _router_body(pt_hbm, s0_hbm, s1_hbm, i0_hbm, i1_hbm, pv, sv0, sv1,
                 iv0, iv1):
    wid = lax.axis_index("s") * SC_NC + lax.axis_index("c")
    base = wid * SC_TPW
    pltpu.sync_copy(pt_hbm.at[:, pl.ds(base, SC_TPW)], pv)
    lane = lax.iota(jnp.int32, SC_L)
    neg_inf = jnp.float32(-jnp.inf)
    for j in range(SC_TPW // SC_L):
        vs = [pv[e, pl.ds(j * SC_L, SC_L)] for e in range(N_EXP)]
        m1 = vs[0]
        for e in range(1, N_EXP):
            m1 = jnp.maximum(m1, vs[e])
        fi = jnp.full((SC_L,), N_EXP, jnp.int32)
        for e in range(N_EXP):
            fi = jnp.minimum(fi, jnp.where(vs[e] == m1, e, N_EXP))
        m2 = jnp.full((SC_L,), neg_inf)
        for e in range(N_EXP):
            m2 = jnp.maximum(m2, jnp.where(fi == e, neg_inf, vs[e]))
        sv0[pl.ds(j * SC_L, SC_L)] = m1
        sv1[pl.ds(j * SC_L, SC_L)] = m2
        if j == 0:
            @pl.when(wid == 0)
            def _():
                si = jnp.full((SC_L,), N_EXP, jnp.int32)
                for e in range(N_EXP):
                    si = jnp.minimum(
                        si, jnp.where((vs[e] == m2) & (fi != e), e, N_EXP))
                iv0[...] = fi
                iv1[...] = si
                pltpu.sync_copy(iv0, i0_hbm)
                pltpu.sync_copy(iv1, i1_hbm)
    pltpu.sync_copy(sv0, s0_hbm.at[pl.ds(base, SC_TPW)])
    pltpu.sync_copy(sv1, s1_hbm.at[pl.ds(base, SC_TPW)])


def _expert_body(i0_ref, i1_ref, x_ref, w0_ref, w1_ref, b0_ref, b1_ref,
                 s0_ref, s1_ref, o_ref):
    xb = x_ref[...]
    d0 = jnp.dot(xb, w0_ref[0].astype(jnp.bfloat16),
                 preferred_element_type=jnp.float32)
    d1 = jnp.dot(xb, w1_ref[0].astype(jnp.bfloat16),
                 preferred_element_type=jnp.float32)
    s0 = s0_ref[...][:, None]
    s1 = s1_ref[...][:, None]
    o_ref[...] = s0 * (d0 + b0_ref[0]) + s1 * (d1 + b1_ref[0])


def kernel(x, Wg, bg, W, b):
    bg2 = bg.reshape(1, N_EXP)
    b3 = b.reshape(N_EXP, 1, D_HID)

    n_blk = TOKENS // BM_A
    probs_t, xbf = pl.pallas_call(
        _gating_body,
        grid=(n_blk,),
        in_specs=[
            pl.BlockSpec((BM_A, D_IN), lambda i: (i, 0)),
            pl.BlockSpec((D_IN, N_EXP), lambda i: (0, 0)),
            pl.BlockSpec((1, N_EXP), lambda i: (0, 0)),
        ],
        out_specs=[
            pl.BlockSpec((N_EXP, BM_A), lambda i: (0, i)),
            pl.BlockSpec((BM_A, D_IN), lambda i: (i, 0)),
        ],
        out_shape=[
            jax.ShapeDtypeStruct((N_EXP, TOKENS), jnp.float32),
            jax.ShapeDtypeStruct((TOKENS, D_IN), jnp.bfloat16),
        ],
        compiler_params=pltpu.CompilerParams(
            dimension_semantics=("arbitrary",)),
    )(x, Wg, bg2)

    s0, s1, i0, i1 = pl.kernel(
        _router_body,
        out_type=[
            jax.ShapeDtypeStruct((TOKENS,), jnp.float32),
            jax.ShapeDtypeStruct((TOKENS,), jnp.float32),
            jax.ShapeDtypeStruct((SC_L,), jnp.int32),
            jax.ShapeDtypeStruct((SC_L,), jnp.int32),
        ],
        mesh=plsc.VectorSubcoreMesh(core_axis_name="c", subcore_axis_name="s"),
        scratch_types=[
            pltpu.VMEM((N_EXP, SC_TPW), jnp.float32),
            pltpu.VMEM((SC_TPW,), jnp.float32),
            pltpu.VMEM((SC_TPW,), jnp.float32),
            pltpu.VMEM((SC_L,), jnp.int32),
            pltpu.VMEM((SC_L,), jnp.int32),
        ],
    )(probs_t)

    out = pl.pallas_call(
        _expert_body,
        grid_spec=pltpu.PrefetchScalarGridSpec(
            num_scalar_prefetch=2,
            grid=(D_HID // BN_C,),
            in_specs=[
                pl.BlockSpec((BM_C, D_IN), lambda n, i0, i1: (0, 0)),
                pl.BlockSpec((1, D_IN, BN_C), lambda n, i0, i1: (i0[0], 0, n)),
                pl.BlockSpec((1, D_IN, BN_C), lambda n, i0, i1: (i1[0], 0, n)),
                pl.BlockSpec((1, 1, BN_C), lambda n, i0, i1: (i0[0], 0, n)),
                pl.BlockSpec((1, 1, BN_C), lambda n, i0, i1: (i1[0], 0, n)),
                pl.BlockSpec((BM_C,), lambda n, i0, i1: (0,)),
                pl.BlockSpec((BM_C,), lambda n, i0, i1: (0,)),
            ],
            out_specs=pl.BlockSpec((BM_C, BN_C), lambda n, i0, i1: (0, n)),
        ),
        out_shape=jax.ShapeDtypeStruct((TOKENS, D_HID), jnp.float32),
        compiler_params=pltpu.CompilerParams(
            dimension_semantics=("arbitrary",)),
    )(i0, i1, xbf, W, W, b3, b3, s0, s1)
    return out

# --- scband reference (transcript-rebuilt; emitter-appended) ---
"""Pipeline reference for scband-mo-elayer-7258494730507 (READ-ONLY COPY).

The authoritative reference and input builder live on the scoring server;
editing this copy changes nothing except your own understanding.
"""

import jax, jax.numpy as jnp
import numpy as np

TOKENS = 4096
INPUT_SIZE = 2048
HIDDEN_SIZE = 2048
NUM_EXPERTS = 8
TOP_K = 2

def setup_inputs(seed: int = 0) -> dict:
    key = jax.random.key(seed)
    k0, k1, k2, k3, k4 = jax.random.split(key, 5)
    x = jax.random.normal(k0, (TOKENS, INPUT_SIZE), dtype=jnp.float32)
    s_in = 1.0 / np.sqrt(INPUT_SIZE)
    # gating network: Linear(input_size, num_experts)
    Wg = jax.random.uniform(k1, (INPUT_SIZE, NUM_EXPERTS), dtype=jnp.float32, minval=-s_in, maxval=s_in)
    bg = jax.random.uniform(k2, (NUM_EXPERTS,), dtype=jnp.float32, minval=-s_in, maxval=s_in)
    # experts: num_experts x Linear(input_size, hidden_size), stacked
    W = jax.random.uniform(k3, (NUM_EXPERTS, INPUT_SIZE, HIDDEN_SIZE), dtype=jnp.float32, minval=-s_in, maxval=s_in)
    b = jax.random.uniform(k4, (NUM_EXPERTS, HIDDEN_SIZE), dtype=jnp.float32, minval=-s_in, maxval=s_in)
    return {"x": x, "Wg": Wg, "bg": bg, "W": W, "b": b}

def reference(x, Wg, bg, W, b):
    # gating_scores = softmax(gating_network(x))
    gating_scores = jax.nn.softmax(x @ Wg + bg, axis=-1)
    # top_k over experts
    top_k_scores, top_k_indices = jax.lax.top_k(gating_scores, TOP_K)
    # NOTE: original torch code uses top_k_indices[0] (the FIRST token's expert
    # choices) for ALL tokens in the batch. We replicate that faithfully.
    idx0 = top_k_indices[0]  # [top_k]
    Wsel = jnp.take(W, idx0, axis=0)  # [top_k, in, hid]
    bsel = jnp.take(b, idx0, axis=0)  # [top_k, hid]
    # expert_outputs: stack over dim=1 -> [B, top_k, hid]
    expert_outputs = jnp.einsum('bi,kih->bkh', x, Wsel) + bsel[None, :, :]
    # top_k_scores unsqueeze + expand, multiply, sum over expert dim
    weighted_outputs = (expert_outputs * top_k_scores[:, :, None]).sum(axis=1)
    return weighted_outputs

if __name__ == "__main__":
    import jax
    _d = setup_inputs()
    print(jax.jit(kernel)(*tuple(_d.values())))

</pallas_src>

<mosaic_0001>
#map = affine_map<(d0, d1) -> (0, 0)>
#map1 = affine_map<(d0, d1) -> (0)>
module attributes {stable_mosaic.version = 14 : i64} {
  func.func @_router_body(%arg0: i32, %arg1: i32, %arg2: memref<8x4096xf32, #tpu.memory_space<hbm>>, %arg3: memref<4096xf32, #tpu.memory_space<hbm>>, %arg4: memref<4096xf32, #tpu.memory_space<hbm>>, %arg5: memref<16xi32, #tpu.memory_space<hbm>>, %arg6: memref<16xi32, #tpu.memory_space<hbm>>, %arg7: memref<8x128xf32, #tpu.memory_space<vmem>>, %arg8: memref<128xf32, #tpu.memory_space<vmem>>, %arg9: memref<128xf32, #tpu.memory_space<vmem>>, %arg10: memref<16xi32, #tpu.memory_space<vmem>>, %arg11: memref<16xi32, #tpu.memory_space<vmem>>) attributes {dimension_semantics = [#tpu.dimension_semantics<core_parallel>, #tpu.dimension_semantics<subcore_parallel>], iteration_bounds = array<i64: 2, 16>, scalar_prefetch = 0 : i64, scratch_operands = 5 : i64, tpu.core_type = #tpu.core_type<sc_vector_subcore>, window_params = [{transform_indices = #map}, {transform_indices = #map1}, {transform_indices = #map1}, {transform_indices = #map1}, {transform_indices = #map1}]} {
    %mul3A = arith.constant 2 : i32
    %mul3A_0 = arith.muli %arg1, %mul3A : i32
    %add3A = arith.addi %mul3A_0, %arg0 : i32
    %mul3A_1 = arith.constant 128 : i32
    %mul3A_2 = arith.muli %add3A, %mul3A_1 : i32
    "tpu.region"() ({
      %run_scoped3A = tpu.sem_alloc : memref<!tpu.dma_semaphore, #tpu.memory_space<semaphore_mem>>
      %dma_start3A = arith.constant 0 : i32
      %dma_start3A_1366 = tpu.memref_slice %arg2[%dma_start3A, %mul3A_2] : memref<8x4096xf32, #tpu.memory_space<hbm>> -> memref<8x128xf32, #tpu.memory_space<hbm>>
      %dma_start3A_1367 = arith.constant 0 : i32
      %dma_start3A_1368 = tpu.memref_slice %arg2[%dma_start3A_1367, %mul3A_2] : memref<8x4096xf32, #tpu.memory_space<hbm>> -> memref<8x128xf32, #tpu.memory_space<hbm>>
      tpu.enqueue_dma source(%dma_start3A_1368 : memref<8x128xf32, #tpu.memory_space<hbm>>) target(%arg7 : memref<8x128xf32, #tpu.memory_space<vmem>>) target_semaphore(%run_scoped3A : memref<!tpu.dma_semaphore, #tpu.memory_space<semaphore_mem>>)
      %dma_wait3A = arith.constant 0 : i32
      %dma_wait3A_1369 = tpu.memref_slice %arg2[%dma_wait3A, %mul3A_2] : memref<8x4096xf32, #tpu.memory_space<hbm>> -> memref<8x128xf32, #tpu.memory_space<hbm>>
      %dma_wait3A_1370 = arith.constant 0 : i32
      %dma_wait3A_1371 = tpu.memref_slice %arg2[%dma_wait3A_1370, %mul3A_2] : memref<8x4096xf32, #tpu.memory_space<hbm>> -> memref<8x128xf32, #tpu.memory_space<hbm>>
      tpu.wait_dma2 semaphore(%run_scoped3A : memref<!tpu.dma_semaphore, #tpu.memory_space<semaphore_mem>>) src(%dma_wait3A_1371 : memref<8x128xf32, #tpu.memory_space<hbm>>) dst(%arg7 : memref<8x128xf32, #tpu.memory_space<vmem>>)
      tpu.yield
    }) : () -> ()
    %iota3A = tpu.iota {dimensions = array<i32: 0>} : vector<16xi32>
    %get3A = arith.constant 0 : i32
    %get3A_3 = arith.index_cast %get3A : i32 to index
    %get3A_4 = arith.constant 0 : index
    %get3A_5 = tpu.vector_load %arg7[%get3A_3, %get3A_4] {strides = array<i32>} : memref<8x128xf32, #tpu.memory_space<vmem>>, vector<1x16xf32>,
    %get3A_6 = vector.shape_cast %get3A_5 : vector<1x16xf32> to vector<16xf32>
    %get3A_7 = arith.constant 1 : i32
    %get3A_8 = arith.index_cast %get3A_7 : i32 to index
    %get3A_9 = arith.constant 0 : index
    %get3A_10 = tpu.vector_load %arg7[%get3A_8, %get3A_9] {strides = array<i32>} : memref<8x128xf32, #tpu.memory_space<vmem>>, vector<1x16xf32>,
    %get3A_11 = vector.shape_cast %get3A_10 : vector<1x16xf32> to vector<16xf32>
    %get3A_12 = arith.constant 2 : i32
    %get3A_13 = arith.index_cast %get3A_12 : i32 to index
    %get3A_14 = arith.constant 0 : index
    %get3A_15 = tpu.vector_load %arg7[%get3A_13, %get3A_14] {strides = array<i32>} : memref<8x128xf32, #tpu.memory_space<vmem>>, vector<1x16xf32>,
    %get3A_16 = vector.shape_cast %get3A_15 : vector<1x16xf32> to vector<16xf32>
    %get3A_17 = arith.constant 3 : i32
    %get3A_18 = arith.index_cast %get3A_17 : i32 to index
    %get3A_19 = arith.constant 0 : index
    %get3A_20 = tpu.vector_load %arg7[%get3A_18, %get3A_19] {strides = array<i32>} : memref<8x128xf32, #tpu.memory_space<vmem>>, vector<1x16xf32>,
    %get3A_21 = vector.shape_cast %get3A_20 : vector<1x16xf32> to vector<16xf32>
    %get3A_22 = arith.constant 4 : i32
    %get3A_23 = arith.index_cast %get3A_22 : i32 to index
    %get3A_24 = arith.constant 0 : index
    %get3A_25 = tpu.vector_load %arg7[%get3A_23, %get3A_24] {strides = array<i32>} : memref<8x128xf32, #tpu.memory_space<vmem>>, vector<1x16xf32>,
    %get3A_26 = vector.shape_cast %get3A_25 : vector<1x16xf32> to vector<16xf32>
    %get3A_27 = arith.constant 5 : i32
    %get3A_28 = arith.index_cast %get3A_27 : i32 to index
    %get3A_29 = arith.constant 0 : index
    %get3A_30 = tpu.vector_load %arg7[%get3A_28, %get3A_29] {strides = array<i32>} : memref<8x128xf32, #tpu.memory_space<vmem>>, vector<1x16xf32>,
    %get3A_31 = vector.shape_cast %get3A_30 : vector<1x16xf32> to vector<16xf32>
    %get3A_32 = arith.constant 6 : i32
    %get3A_33 = arith.index_cast %get3A_32 : i32 to index
    %get3A_34 = arith.constant 0 : index
    %get3A_35 = tpu.vector_load %arg7[%get3A_33, %get3A_34] {strides = array<i32>} : memref<8x128xf32, #tpu.memory_space<vmem>>, vector<1x16xf32>,
    %get3A_36 = vector.shape_cast %get3A_35 : vector<1x16xf32> to vector<16xf32>
    %get3A_37 = arith.constant 7 : i32
    %get3A_38 = arith.index_cast %get3A_37 : i32 to index
    %get3A_39 = arith.constant 0 : index
    %get3A_40 = tpu.vector_load %arg7[%get3A_38, %get3A_39] {strides = array<i32>} : memref<8x128xf32, #tpu.memory_space<vmem>>, vector<1x16xf32>,
    %get3A_41 = vector.shape_cast %get3A_40 : vector<1x16xf32> to vector<16xf32>
    %max3A = arith.maximumf %get3A_6, %get3A_11 : vector<16xf32>
    %max3A_42 = arith.maximumf %max3A, %get3A_16 : vector<16xf32>
    %max3A_43 = arith.maximumf %max3A_42, %get3A_21 : vector<16xf32>
    %max3A_44 = arith.maximumf %max3A_43, %get3A_26 : vector<16xf32>
    %max3A_45 = arith.maximumf %max3A_44, %get3A_31 : vector<16xf32>
    %max3A_46 = arith.maximumf %max3A_45, %get3A_36 : vector<16xf32>
    %max3A_47 = arith.maximumf %max3A_46, %get3A_41 : vector<16xf32>
    %broadcast_in_dim3A = arith.constant 8 : i32
    %broadcast_in_dim3A_48 = vector.broadcast %broadcast_in_dim3A : i32 to vector<16xi32>
    %eq3A = arith.cmpf oeq, %get3A_6, %max3A_47 : vector<16xf32>
    %jit3A = arith.constant 0 : i32
    %jit3A_49 = arith.constant 8 : i32
    %broadcast_in_dim3A_50 = vector.broadcast %jit3A : i32 to vector<16xi32>
    %broadcast_in_dim3A_51 = vector.broadcast %jit3A_49 : i32 to vector<16xi32>
    %select_n3A = arith.select %eq3A, %broadcast_in_dim3A_50, %broadcast_in_dim3A_51 : vector<16xi1>, vector<16xi32>
    %min3A = arith.minsi %broadcast_in_dim3A_48, %select_n3A : vector<16xi32>
    %eq3A_52 = arith.cmpf oeq, %get3A_11, %max3A_47 : vector<16xf32>
    %jit3A_53 = arith.constant 1 : i32
    %jit3A_54 = arith.constant 8 : i32
    %broadcast_in_dim3A_55 = vector.broadcast %jit3A_53 : i32 to vector<16xi32>
    %broadcast_in_dim3A_56 = vector.broadcast %jit3A_54 : i32 to vector<16xi32>
    %select_n3A_57 = arith.select %eq3A_52, %broadcast_in_dim3A_55, %broadcast_in_dim3A_56 : vector<16xi1>, vector<16xi32>
    %min3A_58 = arith.minsi %min3A, %select_n3A_57 : vector<16xi32>
    %eq3A_59 = arith.cmpf oeq, %get3A_16, %max3A_47 : vector<16xf32>
    %jit3A_60 = arith.constant 2 : i32
    %jit3A_61 = arith.constant 8 : i32
    %broadcast_in_dim3A_62 = vector.broadcast %jit3A_60 : i32 to vector<16xi32>
    %broadcast_in_dim3A_63 = vector.broadcast %jit3A_61 : i32 to vector<16xi32>
    %select_n3A_64 = arith.select %eq3A_59, %broadcast_in_dim3A_62, %broadcast_in_dim3A_63 : vector<16xi1>, vector<16xi32>
    %min3A_65 = arith.minsi %min3A_58, %select_n3A_64 : vector<16xi32>
    %eq3A_66 = arith.cmpf oeq, %get3A_21, %max3A_47 : vector<16xf32>
    %jit3A_67 = arith.constant 3 : i32
    %jit3A_68 = arith.constant 8 : i32
    %broadcast_in_dim3A_69 = vector.broadcast %jit3A_67 : i32 to vector<16xi32>
    %broadcast_in_dim3A_70 = vector.broadcast %jit3A_68 : i32 to vector<16xi32>
    %select_n3A_71 = arith.select %eq3A_66, %broadcast_in_dim3A_69, %broadcast_in_dim3A_70 : vector<16xi1>, vector<16xi32>
    %min3A_72 = arith.minsi %min3A_65, %select_n3A_71 : vector<16xi32>
    %eq3A_73 = arith.cmpf oeq, %get3A_26, %max3A_47 : vector<16xf32>
    %jit3A_74 = arith.constant 4 : i32
    %jit3A_75 = arith.constant 8 : i32
    %broadcast_in_dim3A_76 = vector.broadcast %jit3A_74 : i32 to vector<16xi32>
    %broadcast_in_dim3A_77 = vector.broadcast %jit3A_75 : i32 to vector<16xi32>
    %select_n3A_78 = arith.select %eq3A_73, %broadcast_in_dim3A_76, %broadcast_in_dim3A_77 : vector<16xi1>, vector<16xi32>
    %min3A_79 = arith.minsi %min3A_72, %select_n3A_78 : vector<16xi32>
    %eq3A_80 = arith.cmpf oeq, %get3A_31, %max3A_47 : vector<16xf32>
    %jit3A_81 = arith.constant 5 : i32
    %jit3A_82 = arith.constant 8 : i32
    %broadcast_in_dim3A_83 = vector.broadcast %jit3A_81 : i32 to vector<16xi32>
    %broadcast_in_dim3A_84 = vector.broadcast %jit3A_82 : i32 to vector<16xi32>
    %select_n3A_85 = arith.select %eq3A_80, %broadcast_in_dim3A_83, %broadcast_in_dim3A_84 : vector<16xi1>, vector<16xi32>
    %min3A_86 = arith.minsi %min3A_79, %select_n3A_85 : vector<16xi32>
    %eq3A_87 = arith.cmpf oeq, %get3A_36, %max3A_47 : vector<16xf32>
    %jit3A_88 = arith.constant 6 : i32
    %jit3A_89 = arith.constant 8 : i32
    %broadcast_in_dim3A_90 = vector.broadcast %jit3A_88 : i32 to vector<16xi32>
    %broadcast_in_dim3A_91 = vector.broadcast %jit3A_89 : i32 to vector<16xi32>
    %select_n3A_92 = arith.select %eq3A_87, %broadcast_in_dim3A_90, %broadcast_in_dim3A_91 : vector<16xi1>, vector<16xi32>
    %min3A_93 = arith.minsi %min3A_86, %select_n3A_92 : vector<16xi32>
    %eq3A_94 = arith.cmpf oeq, %get3A_41, %max3A_47 : vector<16xf32>
    %jit3A_95 = arith.constant 7 : i32
    %jit3A_96 = arith.constant 8 : i32
    %broadcast_in_dim3A_97 = vector.broadcast %jit3A_95 : i32 to vector<16xi32>
    %broadcast_in_dim3A_98 = vector.broadcast %jit3A_96 : i32 to vector<16xi32>
    %select_n3A_99 = arith.select %eq3A_94, %broadcast_in_dim3A_97, %broadcast_in_dim3A_98 : vector<16xi1>, vector<16xi32>
    %min3A_100 = arith.minsi %min3A_93, %select_n3A_99 : vector<16xi32>
    %broadcast_in_dim3A_101 = arith.constant 0xFF800000 : f32
    %broadcast_in_dim3A_102 = vector.broadcast %broadcast_in_dim3A_101 : f32 to vector<16xf32>
    %eq3A_103 = arith.constant 0 : i32
    %eq3A_104 = vector.broadcast %eq3A_103 : i32 to vector<16xi32>
    %eq3A_105 = arith.cmpi eq, %min3A_100, %eq3A_104 : vector<16xi32>
    %jit3A_106 = arith.constant 0xFF800000 : f32
    %broadcast_in_dim3A_107 = vector.broadcast %jit3A_106 : f32 to vector<16xf32>
    %select_n3A_108 = arith.select %eq3A_105, %broadcast_in_dim3A_107, %get3A_6 : vector<16xi1>, vector<16xf32>
    %max3A_109 = arith.maximumf %broadcast_in_dim3A_102, %select_n3A_108 : vector<16xf32>
    %eq3A_110 = arith.constant 1 : i32
    %eq3A_111 = vector.broadcast %eq3A_110 : i32 to vector<16xi32>
    %eq3A_112 = arith.cmpi eq, %min3A_100, %eq3A_111 : vector<16xi32>
    %jit3A_113 = arith.constant 0xFF800000 : f32
    %broadcast_in_dim3A_114 = vector.broadcast %jit3A_113 : f32 to vector<16xf32>
    %select_n3A_115 = arith.select %eq3A_112, %broadcast_in_dim3A_114, %get3A_11 : vector<16xi1>, vector<16xf32>
    %max3A_116 = arith.maximumf %max3A_109, %select_n3A_115 : vector<16xf32>
    %eq3A_117 = arith.constant 2 : i32
    %eq3A_118 = vector.broadcast %eq3A_117 : i32 to vector<16xi32>
    %eq3A_119 = arith.cmpi eq, %min3A_100, %eq3A_118 : vector<16xi32>
    %jit3A_120 = arith.constant 0xFF800000 : f32
    %broadcast_in_dim3A_121 = vector.broadcast %jit3A_120 : f32 to vector<16xf32>
    %select_n3A_122 = arith.select %eq3A_119, %broadcast_in_dim3A_121, %get3A_16 : vector<16xi1>, vector<16xf32>
    %max3A_123 = arith.maximumf %max3A_116, %select_n3A_122 : vector<16xf32>
    %eq3A_124 = arith.constant 3 : i32
    %eq3A_125 = vector.broadcast %eq3A_124 : i32 to vector<16xi32>
    %eq3A_126 = arith.cmpi eq, %min3A_100, %eq3A_125 : vector<16xi32>
    %jit3A_127 = arith.constant 0xFF800000 : f32
    %broadcast_in_dim3A_128 = vector.broadcast %jit3A_127 : f32 to vector<16xf32>
    %select_n3A_129 = arith.select %eq3A_126, %broadcast_in_dim3A_128, %get3A_21 : vector<16xi1>, vector<16xf32>
    %max3A_130 = arith.maximumf %max3A_123, %select_n3A_129 : vector<16xf32>
    %eq3A_131 = arith.constant 4 : i32
    %eq3A_132 = vector.broadcast %eq3A_131 : i32 to vector<16xi32>
    %eq3A_133 = arith.cmpi eq, %min3A_100, %eq3A_132 : vector<16xi32>
    %jit3A_134 = arith.constant 0xFF800000 : f32
    %broadcast_in_dim3A_135 = vector.broadcast %jit3A_134 : f32 to vector<16xf32>
    %select_n3A_136 = arith.select %eq3A_133, %broadcast_in_dim3A_135, %get3A_26 : vector<16xi1>, vector<16xf32>
    %max3A_137 = arith.maximumf %max3A_130, %select_n3A_136 : vector<16xf32>
    %eq3A_138 = arith.constant 5 : i32
    %eq3A_139 = vector.broadcast %eq3A_138 : i32 to vector<16xi32>
    %eq3A_140 = arith.cmpi eq, %min3A_100, %eq3A_139 : vector<16xi32>
    %jit3A_141 = arith.constant 0xFF800000 : f32
    %broadcast_in_dim3A_142 = vector.broadcast %jit3A_141 : f32 to vector<16xf32>
    %select_n3A_143 = arith.select %eq3A_140, %broadcast_in_dim3A_142, %get3A_31 : vector<16xi1>, vector<16xf32>
    %max3A_144 = arith.maximumf %max3A_137, %select_n3A_143 : vector<16xf32>
    %eq3A_145 = arith.constant 6 : i32
    %eq3A_146 = vector.broadcast %eq3A_145 : i32 to vector<16xi32>
    %eq3A_147 = arith.cmpi eq, %min3A_100, %eq3A_146 : vector<16xi32>
    %jit3A_148 = arith.constant 0xFF800000 : f32
    %broadcast_in_dim3A_149 = vector.broadcast %jit3A_148 : f32 to vector<16xf32>
    %select_n3A_150 = arith.select %eq3A_147, %broadcast_in_dim3A_149, %get3A_36 : vector<16xi1>, vector<16xf32>
    %max3A_151 = arith.maximumf %max3A_144, %select_n3A_150 : vector<16xf32>
    %eq3A_152 = arith.constant 7 : i32
    %eq3A_153 = vector.broadcast %eq3A_152 : i32 to vector<16xi32>
    %eq3A_154 = arith.cmpi eq, %min3A_100, %eq3A_153 : vector<16xi32>
    %jit3A_155 = arith.constant 0xFF800000 : f32
    %broadcast_in_dim3A_156 = vector.broadcast %jit3A_155 : f32 to vector<16xf32>
    %select_n3A_157 = arith.select %eq3A_154, %broadcast_in_dim3A_156, %get3A_41 : vector<16xi1>, vector<16xf32>
    %max3A_158 = arith.maximumf %max3A_151, %select_n3A_157 : vector<16xf32>
    %swap3A = arith.constant 0 : index
    %swap3A_159 = tpu.vector_load %arg8[%swap3A] {strides = array<i32>} : memref<128xf32, #tpu.memory_space<vmem>>, vector<16xf32>,
    %swap3A_160 = vector.shape_cast %swap3A_159 : vector<16xf32> to vector<16xf32>
    %swap3A_161 = vector.shape_cast %max3A_47 : vector<16xf32> to vector<16xf32>
    tpu.vector_store %arg8[%swap3A], %swap3A_161 {strides = array<i32>} : memref<128xf32, #tpu.memory_space<vmem>>, vector<16xf32>,
    %swap3A_162 = arith.constant 0 : index
    %swap3A_163 = tpu.vector_load %arg9[%swap3A_162] {strides = array<i32>} : memref<128xf32, #tpu.memory_space<vmem>>, vector<16xf32>,
    %swap3A_164 = vector.shape_cast %swap3A_163 : vector<16xf32> to vector<16xf32>
    %swap3A_165 = vector.shape_cast %max3A_158 : vector<16xf32> to vector<16xf32>
    tpu.vector_store %arg9[%swap3A_162], %swap3A_165 {strides = array<i32>} : memref<128xf32, #tpu.memory_space<vmem>>, vector<16xf32>,
    %eq3A_166 = arith.constant 0 : i32
    %eq3A_167 = arith.cmpi eq, %add3A, %eq3A_166 : i32
    %convert_element_type3A = arith.extui %eq3A_167 : i1 to i32
    %cond3A = arith.constant 0 : i32
    %cond3A_168 = arith.cmpi ne, %convert_element_type3A, %cond3A : i32
    scf.if %cond3A_168 {
      %broadcast_in_dim3A_1366 = arith.constant 8 : i32
      %broadcast_in_dim3A_1367 = vector.broadcast %broadcast_in_dim3A_1366 : i32 to vector<16xi32>
      %eq3A_1368 = arith.cmpf oeq, %get3A_6, %max3A_158 : vector<16xf32>
      %ne3A = arith.constant 0 : i32
      %ne3A_1369 = vector.broadcast %ne3A : i32 to vector<16xi32>
      %ne3A_1370 = arith.cmpi ne, %min3A_100, %ne3A_1369 : vector<16xi32>
      %and3A = arith.andi %eq3A_1368, %ne3A_1370 : vector<16xi1>
      %jit3A_1371 = arith.constant 0 : i32
      %jit3A_1372 = arith.constant 8 : i32
      %broadcast_in_dim3A_1373 = vector.broadcast %jit3A_1371 : i32 to vector<16xi32>
      %broadcast_in_dim3A_1374 = vector.broadcast %jit3A_1372 : i32 to vector<16xi32>
      %select_n3A_1375 = arith.select %and3A, %broadcast_in_dim3A_1373, %broadcast_in_dim3A_1374 : vector<16xi1>, vector<16xi32>
      %min3A_1376 = arith.minsi %broadcast_in_dim3A_1367, %select_n3A_1375 : vector<16xi32>
      %eq3A_1377 = arith.cmpf oeq, %get3A_11, %max3A_158 : vector<16xf32>
      %ne3A_1378 = arith.constant 1 : i32
      %ne3A_1379 = vector.broadcast %ne3A_1378 : i32 to vector<16xi32>
      %ne3A_1380 = arith.cmpi ne, %min3A_100, %ne3A_1379 : vector<16xi32>
      %and3A_1381 = arith.andi %eq3A_1377, %ne3A_1380 : vector<16xi1>
      %jit3A_1382 = arith.constant 1 : i32
      %jit3A_1383 = arith.constant 8 : i32
      %broadcast_in_dim3A_1384 = vector.broadcast %jit3A_1382 : i32 to vector<16xi32>
      %broadcast_in_dim3A_1385 = vector.broadcast %jit3A_1383 : i32 to vector<16xi32>
      %select_n3A_1386 = arith.select %and3A_1381, %broadcast_in_dim3A_1384, %broadcast_in_dim3A_1385 : vector<16xi1>, vector<16xi32>
      %min3A_1387 = arith.minsi %min3A_1376, %select_n3A_1386 : vector<16xi32>
      %eq3A_1388 = arith.cmpf oeq, %get3A_16, %max3A_158 : vector<16xf32>
      %ne3A_1389 = arith.constant 2 : i32
      %ne3A_1390 = vector.broadcast %ne3A_1389 : i32 to vector<16xi32>
      %ne3A_1391 = arith.cmpi ne, %min3A_100, %ne3A_1390 : vector<16xi32>
      %and3A_1392 = arith.andi %eq3A_1388, %ne3A_1391 : vector<16xi1>
      %jit3A_1393 = arith.constant 2 : i32
      %jit3A_1394 = arith.constant 8 : i32
      %broadcast_in_dim3A_1395 = vector.broadcast %jit3A_1393 : i32 to vector<16xi32>
      %broadcast_in_dim3A_1396 = vector.broadcast %jit3A_1394 : i32 to vector<16xi32>
      %select_n3A_1397 = arith.select %and3A_1392, %broadcast_in_dim3A_1395, %broadcast_in_dim3A_1396 : vector<16xi1>, vector<16xi32>
      %min3A_1398 = arith.minsi %min3A_1387, %select_n3A_1397 : vector<16xi32>
      %eq3A_1399 = arith.cmpf oeq, %get3A_21, %max3A_158 : vector<16xf32>
      %ne3A_1400 = arith.constant 3 : i32
      %ne3A_1401 = vector.broadcast %ne3A_1400 : i32 to vector<16xi32>
      %ne3A_1402 = arith.cmpi ne, %min3A_100, %ne3A_1401 : vector<16xi32>
      %and3A_1403 = arith.andi %eq3A_1399, %ne3A_1402 : vector<16xi1>
      %jit3A_1404 = arith.constant 3 : i32
      %jit3A_1405 = arith.constant 8 : i32
      %broadcast_in_dim3A_1406 = vector.broadcast %jit3A_1404 : i32 to vector<16xi32>
      %broadcast_in_dim3A_1407 = vector.broadcast %jit3A_1405 : i32 to vector<16xi32>
      %select_n3A_1408 = arith.select %and3A_1403, %broadcast_in_dim3A_1406, %broadcast_in_dim3A_1407 : vector<16xi1>, vector<16xi32>
      %min3A_1409 = arith.minsi %min3A_1398, %select_n3A_1408 : vector<16xi32>
      %eq3A_1410 = arith.cmpf oeq, %get3A_26, %max3A_158 : vector<16xf32>
      %ne3A_1411 = arith.constant 4 : i32
      %ne3A_1412 = vector.broadcast %ne3A_1411 : i32 to vector<16xi32>
      %ne3A_1413 = arith.cmpi ne, %min3A_100, %ne3A_1412 : vector<16xi32>
      %and3A_1414 = arith.andi %eq3A_1410, %ne3A_1413 : vector<16xi1>
      %jit3A_1415 = arith.constant 4 : i32
      %jit3A_1416 = arith.constant 8 : i32
      %broadcast_in_dim3A_1417 = vector.broadcast %jit3A_1415 : i32 to vector<16xi32>
      %broadcast_in_dim3A_1418 = vector.broadcast %jit3A_1416 : i32 to vector<16xi32>
      %select_n3A_1419 = arith.select %and3A_1414, %broadcast_in_dim3A_1417, %broadcast_in_dim3A_1418 : vector<16xi1>, vector<16xi32>
      %min3A_1420 = arith.minsi %min3A_1409, %select_n3A_1419 : vector<16xi32>
      %eq3A_1421 = arith.cmpf oeq, %get3A_31, %max3A_158 : vector<16xf32>
      %ne3A_1422 = arith.constant 5 : i32
      %ne3A_1423 = vector.broadcast %ne3A_1422 : i32 to vector<16xi32>
      %ne3A_1424 = arith.cmpi ne, %min3A_100, %ne3A_1423 : vector<16xi32>
      %and3A_1425 = arith.andi %eq3A_1421, %ne3A_1424 : vector<16xi1>
      %jit3A_1426 = arith.constant 5 : i32
      %jit3A_1427 = arith.constant 8 : i32
      %broadcast_in_dim3A_1428 = vector.broadcast %jit3A_1426 : i32 to vector<16xi32>
      %broadcast_in_dim3A_1429 = vector.broadcast %jit3A_1427 : i32 to vector<16xi32>
      %select_n3A_1430 = arith.select %and3A_1425, %broadcast_in_dim3A_1428, %broadcast_in_dim3A_1429 : vector<16xi1>, vector<16xi32>
      %min3A_1431 = arith.minsi %min3A_1420, %select_n3A_1430 : vector<16xi32>
      %eq3A_1432 = arith.cmpf oeq, %get3A_36, %max3A_158 : vector<16xf32>
      %ne3A_1433 = arith.constant 6 : i32
      %ne3A_1434 = vector.broadcast %ne3A_1433 : i32 to vector<16xi32>
      %ne3A_1435 = arith.cmpi ne, %min3A_100, %ne3A_1434 : vector<16xi32>
      %and3A_1436 = arith.andi %eq3A_1432, %ne3A_1435 : vector<16xi1>
      %jit3A_1437 = arith.constant 6 : i32
      %jit3A_1438 = arith.constant 8 : i32
      %broadcast_in_dim3A_1439 = vector.broadcast %jit3A_1437 : i32 to vector<16xi32>
      %broadcast_in_dim3A_1440 = vector.broadcast %jit3A_1438 : i32 to vector<16xi32>
      %select_n3A_1441 = arith.select %and3A_1436, %broadcast_in_dim3A_1439, %broadcast_in_dim3A_1440 : vector<16xi1>, vector<16xi32>
      %min3A_1442 = arith.minsi %min3A_1431, %select_n3A_1441 : vector<16xi32>
      %eq3A_1443 = arith.cmpf oeq, %get3A_41, %max3A_158 : vector<16xf32>
      %ne3A_1444 = arith.constant 7 : i32
      %ne3A_1445 = vector.broadcast %ne3A_1444 : i32 to vector<16xi32>
      %ne3A_1446 = arith.cmpi ne, %min3A_100, %ne3A_1445 : vector<16xi32>
      %and3A_1447 = arith.andi %eq3A_1443, %ne3A_1446 : vector<16xi1>
      %jit3A_1448 = arith.constant 7 : i32
      %jit3A_1449 = arith.constant 8 : i32
      %broadcast_in_dim3A_1450 = vector.broadcast %jit3A_1448 : i32 to vector<16xi32>
      %broadcast_in_dim3A_1451 = vector.broadcast %jit3A_1449 : i32 to vector<16xi32>
      %select_n3A_1452 = arith.select %and3A_1447, %broadcast_in_dim3A_1450, %broadcast_in_dim3A_1451 : vector<16xi1>, vector<16xi32>
      %min3A_1453 = arith.minsi %min3A_1442, %select_n3A_1452 : vector<16xi32>
      %swap3A_1454 = arith.constant 0 : index
      %swap3A_1455 = tpu.vector_load %arg10[%swap3A_1454] {strides = array<i32>} : memref<16xi32, #tpu.memory_space<vmem>>, vector<16xi32>,
      %swap3A_1456 = vector.shape_cast %swap3A_1455 : vector<16xi32> to vector<16xi32>
      %swap3A_1457 = vector.shape_cast %min3A_100 : vector<16xi32> to vector<16xi32>
      tpu.vector_store %arg10[%swap3A_1454], %swap3A_1457 {strides = array<i32>} : memref<16xi32, #tpu.memory_space<vmem>>, vector<16xi32>,
      %swap3A_1458 = arith.constant 0 : index
      %swap3A_1459 = tpu.vector_load %arg11[%swap3A_1458] {strides = array<i32>} : memref<16xi32, #tpu.memory_space<vmem>>, vector<16xi32>,
      %swap3A_1460 = vector.shape_cast %swap3A_1459 : vector<16xi32> to vector<16xi32>
      %swap3A_1461 = vector.shape_cast %min3A_1453 : vector<16xi32> to vector<16xi32>
      tpu.vector_store %arg11[%swap3A_1458], %swap3A_1461 {strides = array<i32>} : memref<16xi32, #tpu.memory_space<vmem>>, vector<16xi32>,
      "tpu.region"() ({
        %run_scoped3A = tpu.sem_alloc : memref<!tpu.dma_semaphore, #tpu.memory_space<semaphore_mem>>
        tpu.enqueue_dma source(%arg10 : memref<16xi32, #tpu.memory_space<vmem>>) target(%arg5 : memref<16xi32, #tpu.memory_space<hbm>>) target_semaphore(%run_scoped3A : memref<!tpu.dma_semaphore, #tpu.memory_space<semaphore_mem>>)
        tpu.wait_dma2 semaphore(%run_scoped3A : memref<!tpu.dma_semaphore, #tpu.memory_space<semaphore_mem>>) src(%arg10 : memref<16xi32, #tpu.memory_space<vmem>>) dst(%arg5 : memref<16xi32, #tpu.memory_space<hbm>>)
        tpu.yield
      }) : () -> ()
      "tpu.region"() ({
        %run_scoped3A = tpu.sem_alloc : memref<!tpu.dma_semaphore, #tpu.memory_space<semaphore_mem>>
        tpu.enqueue_dma source(%arg11 : memref<16xi32, #tpu.memory_space<vmem>>) target(%arg6 : memref<16xi32, #tpu.memory_space<hbm>>) target_semaphore(%run_scoped3A : memref<!tpu.dma_semaphore, #tpu.memory_space<semaphore_mem>>)
        tpu.wait_dma2 semaphore(%run_scoped3A : memref<!tpu.dma_semaphore, #tpu.memory_space<semaphore_mem>>) src(%arg11 : memref<16xi32, #tpu.memory_space<vmem>>) dst(%arg6 : memref<16xi32, #tpu.memory_space<hbm>>)
        tpu.yield
      }) : () -> ()
    } else {
    }
    %get3A_169 = arith.constant 0 : i32
    %get3A_170 = arith.index_cast %get3A_169 : i32 to index
    %get3A_171 = arith.constant 16 : index
    %get3A_172 = tpu.vector_load %arg7[%get3A_170, %get3A_171] {strides = array<i32>} : memref<8x128xf32, #tpu.memory_space<vmem>>, vector<1x16xf32>,
    %get3A_173 = vector.shape_cast %get3A_172 : vector<1x16xf32> to vector<16xf32>
    %get3A_174 = arith.constant 1 : i32
    %get3A_175 = arith.index_cast %get3A_174 : i32 to index
    %get3A_176 = arith.constant 16 : index
    %get3A_177 = tpu.vector_load %arg7[%get3A_175, %get3A_176] {strides = array<i32>} : memref<8x128xf32, #tpu.memory_space<vmem>>, vector<1x16xf32>,
    %get3A_178 = vector.shape_cast %get3A_177 : vector<1x16xf32> to vector<16xf32>
    %get3A_179 = arith.constant 2 : i32
    %get3A_180 = arith.index_cast %get3A_179 : i32 to index
    %get3A_181 = arith.constant 16 : index
    %get3A_182 = tpu.vector_load %arg7[%get3A_180, %get3A_181] {strides = array<i32>} : memref<8x128xf32, #tpu.memory_space<vmem>>, vector<1x16xf32>,
    %get3A_183 = vector.shape_cast %get3A_182 : vector<1x16xf32> to vector<16xf32>
    %get3A_184 = arith.constant 3 : i32
    %get3A_185 = arith.index_cast %get3A_184 : i32 to index
    %get3A_186 = arith.constant 16 : index
    %get3A_187 = tpu.vector_load %arg7[%get3A_185, %get3A_186] {strides = array<i32>} : memref<8x128xf32, #tpu.memory_space<vmem>>, vector<1x16xf32>,
    %get3A_188 = vector.shape_cast %get3A_187 : vector<1x16xf32> to vector<16xf32>
    %get3A_189 = arith.constant 4 : i32
    %get3A_190 = arith.index_cast %get3A_189 : i32 to index
    %get3A_191 = arith.constant 16 : index
    %get3A_192 = tpu.vector_load %arg7[%get3A_190, %get3A_191] {strides = array<i32>} : memref<8x128xf32, #tpu.memory_space<vmem>>, vector<1x16xf32>,
    %get3A_193 = vector.shape_cast %get3A_192 : vector<1x16xf32> to vector<16xf32>
    %get3A_194 = arith.constant 5 : i32
    %get3A_195 = arith.index_cast %get3A_194 : i32 to index
    %get3A_196 = arith.constant 16 : index
    %get3A_197 = tpu.vector_load %arg7[%get3A_195, %get3A_196] {strides = array<i32>} : memref<8x128xf32, #tpu.memory_space<vmem>>, vector<1x16xf32>,
    %get3A_198 = vector.shape_cast %get3A_197 : vector<1x16xf32> to vector<16xf32>
    %get3A_199 = arith.constant 6 : i32
    %get3A_200 = arith.index_cast %get3A_199 : i32 to index
    %get3A_201 = arith.constant 16 : index
    %get3A_202 = tpu.vector_load %arg7[%get3A_200, %get3A_201] {strides = array<i32>} : memref<8x128xf32, #tpu.memory_space<vmem>>, vector<1x16xf32>,
    %get3A_203 = vector.shape_cast %get3A_202 : vector<1x16xf32> to vector<16xf32>
    %get3A_204 = arith.constant 7 : i32
    %get3A_205 = arith.index_cast %get3A_204 : i32 to index
    %get3A_206 = arith.constant 16 : index
    %get3A_207 = tpu.vector_load %arg7[%get3A_205, %get3A_206] {strides = array<i32>} : memref<8x128xf32, #tpu.memory_space<vmem>>, vector<1x16xf32>,
    %get3A_208 = vector.shape_cast %get3A_207 : vector<1x16xf32> to vector<16xf32>
    %max3A_209 = arith.maximumf %get3A_173, %get3A_178 : vector<16xf32>
    %max3A_210 = arith.maximumf %max3A_209, %get3A_183 : vector<16xf32>
    %max3A_211 = arith.maximumf %max3A_210, %get3A_188 : vector<16xf32>
    %max3A_212 = arith.maximumf %max3A_211, %get3A_193 : vector<16xf32>
    %max3A_213 = arith.maximumf %max3A_212, %get3A_198 : vector<16xf32>
    %max3A_214 = arith.maximumf %max3A_213, %get3A_203 : vector<16xf32>
    %max3A_215 = arith.maximumf %max3A_214, %get3A_208 : vector<16xf32>
    %broadcast_in_dim3A_216 = arith.constant 8 : i32
    %broadcast_in_dim3A_217 = vector.broadcast %broadcast_in_dim3A_216 : i32 to vector<16xi32>
    %eq3A_218 = arith.cmpf oeq, %get3A_173, %max3A_215 : vector<16xf32>
    %jit3A_219 = arith.constant 0 : i32
    %jit3A_220 = arith.constant 8 : i32
    %broadcast_in_dim3A_221 = vector.broadcast %jit3A_219 : i32 to vector<16xi32>
    %broadcast_in_dim3A_222 = vector.broadcast %jit3A_220 : i32 to vector<16xi32>
    %select_n3A_223 = arith.select %eq3A_218, %broadcast_in_dim3A_221, %broadcast_in_dim3A_222 : vector<16xi1>, vector<16xi32>
    %min3A_224 = arith.minsi %broadcast_in_dim3A_217, %select_n3A_223 : vector<16xi32>
    %eq3A_225 = arith.cmpf oeq, %get3A_178, %max3A_215 : vector<16xf32>
    %jit3A_226 = arith.constant 1 : i32
    %jit3A_227 = arith.constant 8 : i32
    %broadcast_in_dim3A_228 = vector.broadcast %jit3A_226 : i32 to vector<16xi32>
    %broadcast_in_dim3A_229 = vector.broadcast %jit3A_227 : i32 to vector<16xi32>
    %select_n3A_230 = arith.select %eq3A_225, %broadcast_in_dim3A_228, %broadcast_in_dim3A_229 : vector<16xi1>, vector<16xi32>
    %min3A_231 = arith.minsi %min3A_224, %select_n3A_230 : vector<16xi32>
    %eq3A_232 = arith.cmpf oeq, %get3A_183, %max3A_215 : vector<16xf32>
    %jit3A_233 = arith.constant 2 : i32
    %jit3A_234 = arith.constant 8 : i32
    %broadcast_in_dim3A_235 = vector.broadcast %jit3A_233 : i32 to vector<16xi32>
    %broadcast_in_dim3A_236 = vector.broadcast %jit3A_234 : i32 to vector<16xi32>
    %select_n3A_237 = arith.select %eq3A_232, %broadcast_in_dim3A_235, %broadcast_in_dim3A_236 : vector<16xi1>, vector<16xi32>
    %min3A_238 = arith.minsi %min3A_231, %select_n3A_237 : vector<16xi32>
    %eq3A_239 = arith.cmpf oeq, %get3A_188, %max3A_215 : vector<16xf32>
    %jit3A_240 = arith.constant 3 : i32
    %jit3A_241 = arith.constant 8 : i32
    %broadcast_in_dim3A_242 = vector.broadcast %jit3A_240 : i32 to vector<16xi32>
    %broadcast_in_dim3A_243 = vector.broadcast %jit3A_241 : i32 to vector<16xi32>
    %select_n3A_244 = arith.select %eq3A_239, %broadcast_in_dim3A_242, %broadcast_in_dim3A_243 : vector<16xi1>, vector<16xi32>
    %min3A_245 = arith.minsi %min3A_238, %select_n3A_244 : vector<16xi32>
    %eq3A_246 = arith.cmpf oeq, %get3A_193, %max3A_215 : vector<16xf32>
    %jit3A_247 = arith.constant 4 : i32
    %jit3A_248 = arith.constant 8 : i32
    %broadcast_in_dim3A_249 = vector.broadcast %jit3A_247 : i32 to vector<16xi32>
    %broadcast_in_dim3A_250 = vector.broadcast %jit3A_248 : i32 to vector<16xi32>
    %select_n3A_251 = arith.select %eq3A_246, %broadcast_in_dim3A_249, %broadcast_in_dim3A_250 : vector<16xi1>, vector<16xi32>
    %min3A_252 = arith.minsi %min3A_245, %select_n3A_251 : vector<16xi32>
    %eq3A_253 = arith.cmpf oeq, %get3A_198, %max3A_215 : vector<16xf32>
    %jit3A_254 = arith.constant 5 : i32
    %jit3A_255 = arith.constant 8 : i32
    %broadcast_in_dim3A_256 = vector.broadcast %jit3A_254 : i32 to vector<16xi32>
    %broadcast_in_dim3A_257 = vector.broadcast %jit3A_255 : i32 to vector<16xi32>
    %select_n3A_258 = arith.select %eq3A_253, %broadcast_in_dim3A_256, %broadcast_in_dim3A_257 : vector<16xi1>, vector<16xi32>
    %min3A_259 = arith.minsi %min3A_252, %select_n3A_258 : vector<16xi32>
    %eq3A_260 = arith.cmpf oeq, %get3A_203, %max3A_215 : vector<16xf32>
    %jit3A_261 = arith.constant 6 : i32
    %jit3A_262 = arith.constant 8 : i32
    %broadcast_in_dim3A_263 = vector.broadcast %jit3A_261 : i32 to vector<16xi32>
    %broadcast_in_dim3A_264 = vector.broadcast %jit3A_262 : i32 to vector<16xi32>
    %select_n3A_265 = arith.select %eq3A_260, %broadcast_in_dim3A_263, %broadcast_in_dim3A_264 : vector<16xi1>, vector<16xi32>
    %min3A_266 = arith.minsi %min3A_259, %select_n3A_265 : vector<16xi32>
    %eq3A_267 = arith.cmpf oeq, %get3A_208, %max3A_215 : vector<16xf32>
    %jit3A_268 = arith.constant 7 : i32
    %jit3A_269 = arith.constant 8 : i32
    %broadcast_in_dim3A_270 = vector.broadcast %jit3A_268 : i32 to vector<16xi32>
    %broadcast_in_dim3A_271 = vector.broadcast %jit3A_269 : i32 to vector<16xi32>
    %select_n3A_272 = arith.select %eq3A_267, %broadcast_in_dim3A_270, %broadcast_in_dim3A_271 : vector<16xi1>, vector<16xi32>
    %min3A_273 = arith.minsi %min3A_266, %select_n3A_272 : vector<16xi32>
    %broadcast_in_dim3A_274 = arith.constant 0xFF800000 : f32
    %broadcast_in_dim3A_275 = vector.broadcast %broadcast_in_dim3A_274 : f32 to vector<16xf32>
    %eq3A_276 = arith.constant 0 : i32
    %eq3A_277 = vector.broadcast %eq3A_276 : i32 to vector<16xi32>
    %eq3A_278 = arith.cmpi eq, %min3A_273, %eq3A_277 : vector<16xi32>
    %jit3A_279 = arith.constant 0xFF800000 : f32
    %broadcast_in_dim3A_280 = vector.broadcast %jit3A_279 : f32 to vector<16xf32>
    %select_n3A_281 = arith.select %eq3A_278, %broadcast_in_dim3A_280, %get3A_173 : vector<16xi1>, vector<16xf32>
    %max3A_282 = arith.maximumf %broadcast_in_dim3A_275, %select_n3A_281 : vector<16xf32>
    %eq3A_283 = arith.constant 1 : i32
    %eq3A_284 = vector.broadcast %eq3A_283 : i32 to vector<16xi32>
    %eq3A_285 = arith.cmpi eq, %min3A_273, %eq3A_284 : vector<16xi32>
    %jit3A_286 = arith.constant 0xFF800000 : f32
    %broadcast_in_dim3A_287 = vector.broadcast %jit3A_286 : f32 to vector<16xf32>
    %select_n3A_288 = arith.select %eq3A_285, %broadcast_in_dim3A_287, %get3A_178 : vector<16xi1>, vector<16xf32>
    %max3A_289 = arith.maximumf %max3A_282, %select_n3A_288 : vector<16xf32>
    %eq3A_290 = arith.constant 2 : i32
    %eq3A_291 = vector.broadcast %eq3A_290 : i32 to vector<16xi32>
    %eq3A_292 = arith.cmpi eq, %min3A_273, %eq3A_291 : vector<16xi32>
    %jit3A_293 = arith.constant 0xFF800000 : f32
    %broadcast_in_dim3A_294 = vector.broadcast %jit3A_293 : f32 to vector<16xf32>
    %select_n3A_295 = arith.select %eq3A_292, %broadcast_in_dim3A_294, %get3A_183 : vector<16xi1>, vector<16xf32>
    %max3A_296 = arith.maximumf %max3A_289, %select_n3A_295 : vector<16xf32>
    %eq3A_297 = arith.constant 3 : i32
    %eq3A_298 = vector.broadcast %eq3A_297 : i32 to vector<16xi32>
    %eq3A_299 = arith.cmpi eq, %min3A_273, %eq3A_298 : vector<16xi32>
    %jit3A_300 = arith.constant 0xFF800000 : f32
    %broadcast_in_dim3A_301 = vector.broadcast %jit3A_300 : f32 to vector<16xf32>
    %select_n3A_302 = arith.select %eq3A_299, %broadcast_in_dim3A_301, %get3A_188 : vector<16xi1>, vector<16xf32>
    %max3A_303 = arith.maximumf %max3A_296, %select_n3A_302 : vector<16xf32>
    %eq3A_304 = arith.constant 4 : i32
    %eq3A_305 = vector.broadcast %eq3A_304 : i32 to vector<16xi32>
    %eq3A_306 = arith.cmpi eq, %min3A_273, %eq3A_305 : vector<16xi32>
    %jit3A_307 = arith.constant 0xFF800000 : f32
    %broadcast_in_dim3A_308 = vector.broadcast %jit3A_307 : f32 to vector<16xf32>
    %select_n3A_309 = arith.select %eq3A_306, %broadcast_in_dim3A_308, %get3A_193 : vector<16xi1>, vector<16xf32>
    %max3A_310 = arith.maximumf %max3A_303, %select_n3A_309 : vector<16xf32>
    %eq3A_311 = arith.constant 5 : i32
    %eq3A_312 = vector.broadcast %eq3A_311 : i32 to vector<16xi32>
    %eq3A_313 = arith.cmpi eq, %min3A_273, %eq3A_312 : vector<16xi32>
    %jit3A_314 = arith.constant 0xFF800000 : f32
    %broadcast_in_dim3A_315 = vector.broadcast %jit3A_314 : f32 to vector<16xf32>
    %select_n3A_316 = arith.select %eq3A_313, %broadcast_in_dim3A_315, %get3A_198 : vector<16xi1>, vector<16xf32>
    %max3A_317 = arith.maximumf %max3A_310, %select_n3A_316 : vector<16xf32>
    %eq3A_318 = arith.constant 6 : i32
    %eq3A_319 = vector.broadcast %eq3A_318 : i32 to vector<16xi32>
    %eq3A_320 = arith.cmpi eq, %min3A_273, %eq3A_319 : vector<16xi32>
    %jit3A_321 = arith.constant 0xFF800000 : f32
    %broadcast_in_dim3A_322 = vector.broadcast %jit3A_321 : f32 to vector<16xf32>
    %select_n3A_323 = arith.select %eq3A_320, %broadcast_in_dim3A_322, %get3A_203 : vector<16xi1>, vector<16xf32>
    %max3A_324 = arith.maximumf %max3A_317, %select_n3A_323 : vector<16xf32>
    %eq3A_325 = arith.constant 7 : i32
    %eq3A_326 = vector.broadcast %eq3A_325 : i32 to vector<16xi32>
    %eq3A_327 = arith.cmpi eq, %min3A_273, %eq3A_326 : vector<16xi32>
    %jit3A_328 = arith.constant 0xFF800000 : f32
    %broadcast_in_dim3A_329 = vector.broadcast %jit3A_328 : f32 to vector<16xf32>
    %select_n3A_330 = arith.select %eq3A_327, %broadcast_in_dim3A_329, %get3A_208 : vector<16xi1>, vector<16xf32>
    %max3A_331 = arith.maximumf %max3A_324, %select_n3A_330 : vector<16xf32>
    %swap3A_332 = arith.constant 16 : index
    %swap3A_333 = tpu.vector_load %arg8[%swap3A_332] {strides = array<i32>} : memref<128xf32, #tpu.memory_space<vmem>>, vector<16xf32>,
    %swap3A_334 = vector.shape_cast %swap3A_333 : vector<16xf32> to vector<16xf32>
    %swap3A_335 = vector.shape_cast %max3A_215 : vector<16xf32> to vector<16xf32>
    tpu.vector_store %arg8[%swap3A_332], %swap3A_335 {strides = array<i32>} : memref<128xf32, #tpu.memory_space<vmem>>, vector<16xf32>,
    %swap3A_336 = arith.constant 16 : index
    %swap3A_337 = tpu.vector_load %arg9[%swap3A_336] {strides = array<i32>} : memref<128xf32, #tpu.memory_space<vmem>>, vector<16xf32>,
    %swap3A_338 = vector.shape_cast %swap3A_337 : vector<16xf32> to vector<16xf32>
    %swap3A_339 = vector.shape_cast %max3A_331 : vector<16xf32> to vector<16xf32>
    tpu.vector_store %arg9[%swap3A_336], %swap3A_339 {strides = array<i32>} : memref<128xf32, #tpu.memory_space<vmem>>, vector<16xf32>,
    %get3A_340 = arith.constant 0 : i32
    %get3A_341 = arith.index_cast %get3A_340 : i32 to index
    %get3A_342 = arith.constant 32 : index
    %get3A_343 = tpu.vector_load %arg7[%get3A_341, %get3A_342] {strides = array<i32>} : memref<8x128xf32, #tpu.memory_space<vmem>>, vector<1x16xf32>,
    %get3A_344 = vector.shape_cast %get3A_343 : vector<1x16xf32> to vector<16xf32>
    %get3A_345 = arith.constant 1 : i32
    %get3A_346 = arith.index_cast %get3A_345 : i32 to index
    %get3A_347 = arith.constant 32 : index
    %get3A_348 = tpu.vector_load %arg7[%get3A_346, %get3A_347] {strides = array<i32>} : memref<8x128xf32, #tpu.memory_space<vmem>>, vector<1x16xf32>,
    %get3A_349 = vector.shape_cast %get3A_348 : vector<1x16xf32> to vector<16xf32>
    %get3A_350 = arith.constant 2 : i32
    %get3A_351 = arith.index_cast %get3A_350 : i32 to index
    %get3A_352 = arith.constant 32 : index
    %get3A_353 = tpu.vector_load %arg7[%get3A_351, %get3A_352] {strides = array<i32>} : memref<8x128xf32, #tpu.memory_space<vmem>>, vector<1x16xf32>,
    %get3A_354 = vector.shape_cast %get3A_353 : vector<1x16xf32> to vector<16xf32>
    %get3A_355 = arith.constant 3 : i32
    %get3A_356 = arith.index_cast %get3A_355 : i32 to index
    %get3A_357 = arith.constant 32 : index
    %get3A_358 = tpu.vector_load %arg7[%get3A_356, %get3A_357] {strides = array<i32>} : memref<8x128xf32, #tpu.memory_space<vmem>>, vector<1x16xf32>,
    %get3A_359 = vector.shape_cast %get3A_358 : vector<1x16xf32> to vector<16xf32>
    %get3A_360 = arith.constant 4 : i32
    %get3A_361 = arith.index_cast %get3A_360 : i32 to index
    %get3A_362 = arith.constant 32 : index
    %get3A_363 = tpu.vector_load %arg7[%get3A_361, %get3A_362] {strides = array<i32>} : memref<8x128xf32, #tpu.memory_space<vmem>>, vector<1x16xf32>,
    %get3A_364 = vector.shape_cast %get3A_363 : vector<1x16xf32> to vector<16xf32>
    %get3A_365 = arith.constant 5 : i32
    %get3A_366 = arith.index_cast %get3A_365 : i32 to index
    %get3A_367 = arith.constant 32 : index
    %get3A_368 = tpu.vector_load %arg7[%get3A_366, %get3A_367] {strides = array<i32>} : memref<8x128xf32, #tpu.memory_space<vmem>>, vector<1x16xf32>,
    %get3A_369 = vector.shape_cast %get3A_368 : vector<1x16xf32> to vector<16xf32>
    %get3A_370 = arith.constant 6 : i32
    %get3A_371 = arith.index_cast %get3A_370 : i32 to index
    %get3A_372 = arith.constant 32 : index
    %get3A_373 = tpu.vector_load %arg7[%get3A_371, %get3A_372] {strides = array<i32>} : memref<8x128xf32, #tpu.memory_space<vmem>>, vector<1x16xf32>,
    %get3A_374 = vector.shape_cast %get3A_373 : vector<1x16xf32> to vector<16xf32>
    %get3A_375 = arith.constant 7 : i32
    %get3A_376 = arith.index_cast %get3A_375 : i32 to index
    %get3A_377 = arith.constant 32 : index
    %get3A_378 = tpu.vector_load %arg7[%get3A_376, %get3A_377] {strides = array<i32>} : memref<8x128xf32, #tpu.memory_space<vmem>>, vector<1x16xf32>,
    %get3A_379 = vector.shape_cast %get3A_378 : vector<1x16xf32> to vector<16xf32>
    %max3A_380 = arith.maximumf %get3A_344, %get3A_349 : vector<16xf32>
    %max3A_381 = arith.maximumf %max3A_380, %get3A_354 : vector<16xf32>
    %max3A_382 = arith.maximumf %max3A_381, %get3A_359 : vector<16xf32>
    %max3A_383 = arith.maximumf %max3A_382, %get3A_364 : vector<16xf32>
    %max3A_384 = arith.maximumf %max3A_383, %get3A_369 : vector<16xf32>
    %max3A_385 = arith.maximumf %max3A_384, %get3A_374 : vector<16xf32>
    %max3A_386 = arith.maximumf %max3A_385, %get3A_379 : vector<16xf32>
    %broadcast_in_dim3A_387 = arith.constant 8 : i32
    %broadcast_in_dim3A_388 = vector.broadcast %broadcast_in_dim3A_387 : i32 to vector<16xi32>
    %eq3A_389 = arith.cmpf oeq, %get3A_344, %max3A_386 : vector<16xf32>
    %jit3A_390 = arith.constant 0 : i32
    %jit3A_391 = arith.constant 8 : i32
    %broadcast_in_dim3A_392 = vector.broadcast %jit3A_390 : i32 to vector<16xi32>
    %broadcast_in_dim3A_393 = vector.broadcast %jit3A_391 : i32 to vector<16xi32>
    %select_n3A_394 = arith.select %eq3A_389, %broadcast_in_dim3A_392, %broadcast_in_dim3A_393 : vector<16xi1>, vector<16xi32>
    %min3A_395 = arith.minsi %broadcast_in_dim3A_388, %select_n3A_394 : vector<16xi32>
    %eq3A_396 = arith.cmpf oeq, %get3A_349, %max3A_386 : vector<16xf32>
    %jit3A_397 = arith.constant 1 : i32
    %jit3A_398 = arith.constant 8 : i32
    %broadcast_in_dim3A_399 = vector.broadcast %jit3A_397 : i32 to vector<16xi32>
    %broadcast_in_dim3A_400 = vector.broadcast %jit3A_398 : i32 to vector<16xi32>
    %select_n3A_401 = arith.select %eq3A_396, %broadcast_in_dim3A_399, %broadcast_in_dim3A_400 : vector<16xi1>, vector<16xi32>
    %min3A_402 = arith.minsi %min3A_395, %select_n3A_401 : vector<16xi32>
    %eq3A_403 = arith.cmpf oeq, %get3A_354, %max3A_386 : vector<16xf32>
    %jit3A_404 = arith.constant 2 : i32
    %jit3A_405 = arith.constant 8 : i32
    %broadcast_in_dim3A_406 = vector.broadcast %jit3A_404 : i32 to vector<16xi32>
    %broadcast_in_dim3A_407 = vector.broadcast %jit3A_405 : i32 to vector<16xi32>
    %select_n3A_408 = arith.select %eq3A_403, %broadcast_in_dim3A_406, %broadcast_in_dim3A_407 : vector<16xi1>, vector<16xi32>
    %min3A_409 = arith.minsi %min3A_402, %select_n3A_408 : vector<16xi32>
    %eq3A_410 = arith.cmpf oeq, %get3A_359, %max3A_386 : vector<16xf32>
    %jit3A_411 = arith.constant 3 : i32
    %jit3A_412 = arith.constant 8 : i32
    %broadcast_in_dim3A_413 = vector.broadcast %jit3A_411 : i32 to vector<16xi32>
    %broadcast_in_dim3A_414 = vector.broadcast %jit3A_412 : i32 to vector<16xi32>
    %select_n3A_415 = arith.select %eq3A_410, %broadcast_in_dim3A_413, %broadcast_in_dim3A_414 : vector<16xi1>, vector<16xi32>
    %min3A_416 = arith.minsi %min3A_409, %select_n3A_415 : vector<16xi32>
    %eq3A_417 = arith.cmpf oeq, %get3A_364, %max3A_386 : vector<16xf32>
    %jit3A_418 = arith.constant 4 : i32
    %jit3A_419 = arith.constant 8 : i32
    %broadcast_in_dim3A_420 = vector.broadcast %jit3A_418 : i32 to vector<16xi32>
    %broadcast_in_dim3A_421 = vector.broadcast %jit3A_419 : i32 to vector<16xi32>
    %select_n3A_422 = arith.select %eq3A_417, %broadcast_in_dim3A_420, %broadcast_in_dim3A_421 : vector<16xi1>, vector<16xi32>
    %min3A_423 = arith.minsi %min3A_416, %select_n3A_422 : vector<16xi32>
    %eq3A_424 = arith.cmpf oeq, %get3A_369, %max3A_386 : vector<16xf32>
    %jit3A_425 = arith.constant 5 : i32
    %jit3A_426 = arith.constant 8 : i32
    %broadcast_in_dim3A_427 = vector.broadcast %jit3A_425 : i32 to vector<16xi32>
    %broadcast_in_dim3A_428 = vector.broadcast %jit3A_426 : i32 to vector<16xi32>
    %select_n3A_429 = arith.select %eq3A_424, %broadcast_in_dim3A_427, %broadcast_in_dim3A_428 : vector<16xi1>, vector<16xi32>
    %min3A_430 = arith.minsi %min3A_423, %select_n3A_429 : vector<16xi32>
    %eq3A_431 = arith.cmpf oeq, %get3A_374, %max3A_386 : vector<16xf32>
    %jit3A_432 = arith.constant 6 : i32
    %jit3A_433 = arith.constant 8 : i32
    %broadcast_in_dim3A_434 = vector.broadcast %jit3A_432 : i32 to vector<16xi32>
    %broadcast_in_dim3A_435 = vector.broadcast %jit3A_433 : i32 to vector<16xi32>
    %select_n3A_436 = arith.select %eq3A_431, %broadcast_in_dim3A_434, %broadcast_in_dim3A_435 : vector<16xi1>, vector<16xi32>
    %min3A_437 = arith.minsi %min3A_430, %select_n3A_436 : vector<16xi32>
    %eq3A_438 = arith.cmpf oeq, %get3A_379, %max3A_386 : vector<16xf32>
    %jit3A_439 = arith.constant 7 : i32
    %jit3A_440 = arith.constant 8 : i32
    %broadcast_in_dim3A_441 = vector.broadcast %jit3A_439 : i32 to vector<16xi32>
    %broadcast_in_dim3A_442 = vector.broadcast %jit3A_440 : i32 to vector<16xi32>
    %select_n3A_443 = arith.select %eq3A_438, %broadcast_in_dim3A_441, %broadcast_in_dim3A_442 : vector<16xi1>, vector<16xi32>
    %min3A_444 = arith.minsi %min3A_437, %select_n3A_443 : vector<16xi32>
    %broadcast_in_dim3A_445 = arith.constant 0xFF800000 : f32
    %broadcast_in_dim3A_446 = vector.broadcast %broadcast_in_dim3A_445 : f32 to vector<16xf32>
    %eq3A_447 = arith.constant 0 : i32
    %eq3A_448 = vector.broadcast %eq3A_447 : i32 to vector<16xi32>
    %eq3A_449 = arith.cmpi eq, %min3A_444, %eq3A_448 : vector<16xi32>
    %jit3A_450 = arith.constant 0xFF800000 : f32
    %broadcast_in_dim3A_451 = vector.broadcast %jit3A_450 : f32 to vector<16xf32>
    %select_n3A_452 = arith.select %eq3A_449, %broadcast_in_dim3A_451, %get3A_344 : vector<16xi1>, vector<16xf32>
    %max3A_453 = arith.maximumf %broadcast_in_dim3A_446, %select_n3A_452 : vector<16xf32>
    %eq3A_454 = arith.constant 1 : i32
    %eq3A_455 = vector.broadcast %eq3A_454 : i32 to vector<16xi32>
    %eq3A_456 = arith.cmpi eq, %min3A_444, %eq3A_455 : vector<16xi32>
    %jit3A_457 = arith.constant 0xFF800000 : f32
    %broadcast_in_dim3A_458 = vector.broadcast %jit3A_457 : f32 to vector<16xf32>
    %select_n3A_459 = arith.select %eq3A_456, %broadcast_in_dim3A_458, %get3A_349 : vector<16xi1>, vector<16xf32>
    %max3A_460 = arith.maximumf %max3A_453, %select_n3A_459 : vector<16xf32>
    %eq3A_461 = arith.constant 2 : i32
    %eq3A_462 = vector.broadcast %eq3A_461 : i32 to vector<16xi32>
    %eq3A_463 = arith.cmpi eq, %min3A_444, %eq3A_462 : vector<16xi32>
    %jit3A_464 = arith.constant 0xFF800000 : f32
    %broadcast_in_dim3A_465 = vector.broadcast %jit3A_464 : f32 to vector<16xf32>
    %select_n3A_466 = arith.select %eq3A_463, %broadcast_in_dim3A_465, %get3A_354 : vector<16xi1>, vector<16xf32>
    %max3A_467 = arith.maximumf %max3A_460, %select_n3A_466 : vector<16xf32>
    %eq3A_468 = arith.constant 3 : i32
    %eq3A_469 = vector.broadcast %eq3A_468 : i32 to vector<16xi32>
    %eq3A_470 = arith.cmpi eq, %min3A_444, %eq3A_469 : vector<16xi32>
    %jit3A_471 = arith.constant 0xFF800000 : f32
    %broadcast_in_dim3A_472 = vector.broadcast %jit3A_471 : f32 to vector<16xf32>
    %select_n3A_473 = arith.select %eq3A_470, %broadcast_in_dim3A_472, %get3A_359 : vector<16xi1>, vector<16xf32>
    %max3A_474 = arith.maximumf %max3A_467, %select_n3A_473 : vector<16xf32>
    %eq3A_475 = arith.constant 4 : i32
    %eq3A_476 = vector.broadcast %eq3A_475 : i32 to vector<16xi32>
    %eq3A_477 = arith.cmpi eq, %min3A_444, %eq3A_476 : vector<16xi32>
    %jit3A_478 = arith.constant 0xFF800000 : f32
    %broadcast_in_dim3A_479 = vector.broadcast %jit3A_478 : f32 to vector<16xf32>
    %select_n3A_480 = arith.select %eq3A_477, %broadcast_in_dim3A_479, %get3A_364 : vector<16xi1>, vector<16xf32>
    %max3A_481 = arith.maximumf %max3A_474, %select_n3A_480 : vector<16xf32>
    %eq3A_482 = arith.constant 5 : i32
    %eq3A_483 = vector.broadcast %eq3A_482 : i32 to vector<16xi32>
    %eq3A_484 = arith.cmpi eq, %min3A_444, %eq3A_483 : vector<16xi32>
    %jit3A_485 = arith.constant 0xFF800000 : f32
    %broadcast_in_dim3A_486 = vector.broadcast %jit3A_485 : f32 to vector<16xf32>
    %select_n3A_487 = arith.select %eq3A_484, %broadcast_in_dim3A_486, %get3A_369 : vector<16xi1>, vector<16xf32>
    %max3A_488 = arith.maximumf %max3A_481, %select_n3A_487 : vector<16xf32>
    %eq3A_489 = arith.constant 6 : i32
    %eq3A_490 = vector.broadcast %eq3A_489 : i32 to vector<16xi32>
    %eq3A_491 = arith.cmpi eq, %min3A_444, %eq3A_490 : vector<16xi32>
    %jit3A_492 = arith.constant 0xFF800000 : f32
    %broadcast_in_dim3A_493 = vector.broadcast %jit3A_492 : f32 to vector<16xf32>
    %select_n3A_494 = arith.select %eq3A_491, %broadcast_in_dim3A_493, %get3A_374 : vector<16xi1>, vector<16xf32>
    %max3A_495 = arith.maximumf %max3A_488, %select_n3A_494 : vector<16xf32>
    %eq3A_496 = arith.constant 7 : i32
    %eq3A_497 = vector.broadcast %eq3A_496 : i32 to vector<16xi32>
    %eq3A_498 = arith.cmpi eq, %min3A_444, %eq3A_497 : vector<16xi32>
    %jit3A_499 = arith.constant 0xFF800000 : f32
    %broadcast_in_dim3A_500 = vector.broadcast %jit3A_499 : f32 to vector<16xf32>
    %select_n3A_501 = arith.select %eq3A_498, %broadcast_in_dim3A_500, %get3A_379 : vector<16xi1>, vector<16xf32>
    %max3A_502 = arith.maximumf %max3A_495, %select_n3A_501 : vector<16xf32>
    %swap3A_503 = arith.constant 32 : index
    %swap3A_504 = tpu.vector_load %arg8[%swap3A_503] {strides = array<i32>} : memref<128xf32, #tpu.memory_space<vmem>>, vector<16xf32>,
    %swap3A_505 = vector.shape_cast %swap3A_504 : vector<16xf32> to vector<16xf32>
    %swap3A_506 = vector.shape_cast %max3A_386 : vector<16xf32> to vector<16xf32>
    tpu.vector_store %arg8[%swap3A_503], %swap3A_506 {strides = array<i32>} : memref<128xf32, #tpu.memory_space<vmem>>, vector<16xf32>,
    %swap3A_507 = arith.constant 32 : index
    %swap3A_508 = tpu.vector_load %arg9[%swap3A_507] {strides = array<i32>} : memref<128xf32, #tpu.memory_space<vmem>>, vector<16xf32>,
    %swap3A_509 = vector.shape_cast %swap3A_508 : vector<16xf32> to vector<16xf32>
    %swap3A_510 = vector.shape_cast %max3A_502 : vector<16xf32> to vector<16xf32>
    tpu.vector_store %arg9[%swap3A_507], %swap3A_510 {strides = array<i32>} : memref<128xf32, #tpu.memory_space<vmem>>, vector<16xf32>,
    %get3A_511 = arith.constant 0 : i32
    %get3A_512 = arith.index_cast %get3A_511 : i32 to index
    %get3A_513 = arith.constant 48 : index
    %get3A_514 = tpu.vector_load %arg7[%get3A_512, %get3A_513] {strides = array<i32>} : memref<8x128xf32, #tpu.memory_space<vmem>>, vector<1x16xf32>,
    %get3A_515 = vector.shape_cast %get3A_514 : vector<1x16xf32> to vector<16xf32>
    %get3A_516 = arith.constant 1 : i32
    %get3A_517 = arith.index_cast %get3A_516 : i32 to index
    %get3A_518 = arith.constant 48 : index
    %get3A_519 = tpu.vector_load %arg7[%get3A_517, %get3A_518] {strides = array<i32>} : memref<8x128xf32, #tpu.memory_space<vmem>>, vector<1x16xf32>,
    %get3A_520 = vector.shape_cast %get3A_519 : vector<1x16xf32> to vector<16xf32>
    %get3A_521 = arith.constant 2 : i32
    %get3A_522 = arith.index_cast %get3A_521 : i32 to index
    %get3A_523 = arith.constant 48 : index
    %get3A_524 = tpu.vector_load %arg7[%get3A_522, %get3A_523] {strides = array<i32>} : memref<8x128xf32, #tpu.memory_space<vmem>>, vector<1x16xf32>,
    %get3A_525 = vector.shape_cast %get3A_524 : vector<1x16xf32> to vector<16xf32>
    %get3A_526 = arith.constant 3 : i32
    %get3A_527 = arith.index_cast %get3A_526 : i32 to index
    %get3A_528 = arith.constant 48 : index
    %get3A_529 = tpu.vector_load %arg7[%get3A_527, %get3A_528] {strides = array<i32>} : memref<8x128xf32, #tpu.memory_space<vmem>>, vector<1x16xf32>,
    %get3A_530 = vector.shape_cast %get3A_529 : vector<1x16xf32> to vector<16xf32>
    %get3A_531 = arith.constant 4 : i32
    %get3A_532 = arith.index_cast %get3A_531 : i32 to index
    %get3A_533 = arith.constant 48 : index
    %get3A_534 = tpu.vector_load %arg7[%get3A_532, %get3A_533] {strides = array<i32>} : memref<8x128xf32, #tpu.memory_space<vmem>>, vector<1x16xf32>,
    %get3A_535 = vector.shape_cast %get3A_534 : vector<1x16xf32> to vector<16xf32>
    %get3A_536 = arith.constant 5 : i32
    %get3A_537 = arith.index_cast %get3A_536 : i32 to index
    %get3A_538 = arith.constant 48 : index
    %get3A_539 = tpu.vector_load %arg7[%get3A_537, %get3A_538] {strides = array<i32>} : memref<8x128xf32, #tpu.memory_space<vmem>>, vector<1x16xf32>,
    %get3A_540 = vector.shape_cast %get3A_539 : vector<1x16xf32> to vector<16xf32>
    %get3A_541 = arith.constant 6 : i32
    %get3A_542 = arith.index_cast %get3A_541 : i32 to index
    %get3A_543 = arith.constant 48 : index
    %get3A_544 = tpu.vector_load %arg7[%get3A_542, %get3A_543] {strides = array<i32>} : memref<8x128xf32, #tpu.memory_space<vmem>>, vector<1x16xf32>,
    %get3A_545 = vector.shape_cast %get3A_544 : vector<1x16xf32> to vector<16xf32>
    %get3A_546 = arith.constant 7 : i32
    %get3A_547 = arith.index_cast %get3A_546 : i32 to index
    %get3A_548 = arith.constant 48 : index
    %get3A_549 = tpu.vector_load %arg7[%get3A_547, %get3A_548] {strides = array<i32>} : memref<8x128xf32, #tpu.memory_space<vmem>>, vector<1x16xf32>,
    %get3A_550 = vector.shape_cast %get3A_549 : vector<1x16xf32> to vector<16xf32>
    %max3A_551 = arith.maximumf %get3A_515, %get3A_520 : vector<16xf32>
    %max3A_552 = arith.maximumf %max3A_551, %get3A_525 : vector<16xf32>
    %max3A_553 = arith.maximumf %max3A_552, %get3A_530 : vector<16xf32>
    %max3A_554 = arith.maximumf %max3A_553, %get3A_535 : vector<16xf32>
    %max3A_555 = arith.maximumf %max3A_554, %get3A_540 : vector<16xf32>
    %max3A_556 = arith.maximumf %max3A_555, %get3A_545 : vector<16xf32>
    %max3A_557 = arith.maximumf %max3A_556, %get3A_550 : vector<16xf32>
    %broadcast_in_dim3A_558 = arith.constant 8 : i32
    %broadcast_in_dim3A_559 = vector.broadcast %broadcast_in_dim3A_558 : i32 to vector<16xi32>
    %eq3A_560 = arith.cmpf oeq, %get3A_515, %max3A_557 : vector<16xf32>
    %jit3A_561 = arith.constant 0 : i32
    %jit3A_562 = arith.constant 8 : i32
    %broadcast_in_dim3A_563 = vector.broadcast %jit3A_561 : i32 to vector<16xi32>
    %broadcast_in_dim3A_564 = vector.broadcast %jit3A_562 : i32 to vector<16xi32>
    %select_n3A_565 = arith.select %eq3A_560, %broadcast_in_dim3A_563, %broadcast_in_dim3A_564 : vector<16xi1>, vector<16xi32>
    %min3A_566 = arith.minsi %broadcast_in_dim3A_559, %select_n3A_565 : vector<16xi32>
    %eq3A_567 = arith.cmpf oeq, %get3A_520, %max3A_557 : vector<16xf32>
    %jit3A_568 = arith.constant 1 : i32
    %jit3A_569 = arith.constant 8 : i32
    %broadcast_in_dim3A_570 = vector.broadcast %jit3A_568 : i32 to vector<16xi32>
    %broadcast_in_dim3A_571 = vector.broadcast %jit3A_569 : i32 to vector<16xi32>
    %select_n3A_572 = arith.select %eq3A_567, %broadcast_in_dim3A_570, %broadcast_in_dim3A_571 : vector<16xi1>, vector<16xi32>
    %min3A_573 = arith.minsi %min3A_566, %select_n3A_572 : vector<16xi32>
    %eq3A_574 = arith.cmpf oeq, %get3A_525, %max3A_557 : vector<16xf32>
    %jit3A_575 = arith.constant 2 : i32
    %jit3A_576 = arith.constant 8 : i32
    %broadcast_in_dim3A_577 = vector.broadcast %jit3A_575 : i32 to vector<16xi32>
    %broadcast_in_dim3A_578 = vector.broadcast %jit3A_576 : i32 to vector<16xi32>
    %select_n3A_579 = arith.select %eq3A_574, %broadcast_in_dim3A_577, %broadcast_in_dim3A_578 : vector<16xi1>, vector<16xi32>
    %min3A_580 = arith.minsi %min3A_573, %select_n3A_579 : vector<16xi32>
    %eq3A_581 = arith.cmpf oeq, %get3A_530, %max3A_557 : vector<16xf32>
    %jit3A_582 = arith.constant 3 : i32
    %jit3A_583 = arith.constant 8 : i32
    %broadcast_in_dim3A_584 = vector.broadcast %jit3A_582 : i32 to vector<16xi32>
    %broadcast_in_dim3A_585 = vector.broadcast %jit3A_583 : i32 to vector<16xi32>
    %select_n3A_586 = arith.select %eq3A_581, %broadcast_in_dim3A_584, %broadcast_in_dim3A_585 : vector<16xi1>, vector<16xi32>
    %min3A_587 = arith.minsi %min3A_580, %select_n3A_586 : vector<16xi32>
    %eq3A_588 = arith.cmpf oeq, %get3A_535, %max3A_557 : vector<16xf32>
    %jit3A_589 = arith.constant 4 : i32
    %jit3A_590 = arith.constant 8 : i32
    %broadcast_in_dim3A_591 = vector.broadcast %jit3A_589 : i32 to vector<16xi32>
    %broadcast_in_dim3A_592 = vector.broadcast %jit3A_590 : i32 to vector<16xi32>
    %select_n3A_593 = arith.select %eq3A_588, %broadcast_in_dim3A_591, %broadcast_in_dim3A_592 : vector<16xi1>, vector<16xi32>
    %min3A_594 = arith.minsi %min3A_587, %select_n3A_593 : vector<16xi32>
    %eq3A_595 = arith.cmpf oeq, %get3A_540, %max3A_557 : vector<16xf32>
    %jit3A_596 = arith.constant 5 : i32
    %jit3A_597 = arith.constant 8 : i32
    %broadcast_in_dim3A_598 = vector.broadcast %jit3A_596 : i32 to vector<16xi32>
    %broadcast_in_dim3A_599 = vector.broadcast %jit3A_597 : i32 to vector<16xi32>
    %select_n3A_600 = arith.select %eq3A_595, %broadcast_in_dim3A_598, %broadcast_in_dim3A_599 : vector<16xi1>, vector<16xi32>
    %min3A_601 = arith.minsi %min3A_594, %select_n3A_600 : vector<16xi32>
    %eq3A_602 = arith.cmpf oeq, %get3A_545, %max3A_557 : vector<16xf32>
    %jit3A_603 = arith.constant 6 : i32
    %jit3A_604 = arith.constant 8 : i32
    %broadcast_in_dim3A_605 = vector.broadcast %jit3A_603 : i32 to vector<16xi32>
    %broadcast_in_dim3A_606 = vector.broadcast %jit3A_604 : i32 to vector<16xi32>
    %select_n3A_607 = arith.select %eq3A_602, %broadcast_in_dim3A_605, %broadcast_in_dim3A_606 : vector<16xi1>, vector<16xi32>
    %min3A_608 = arith.minsi %min3A_601, %select_n3A_607 : vector<16xi32>
    %eq3A_609 = arith.cmpf oeq, %get3A_550, %max3A_557 : vector<16xf32>
    %jit3A_610 = arith.constant 7 : i32
    %jit3A_611 = arith.constant 8 : i32
    %broadcast_in_dim3A_612 = vector.broadcast %jit3A_610 : i32 to vector<16xi32>
    %broadcast_in_dim3A_613 = vector.broadcast %jit3A_611 : i32 to vector<16xi32>
    %select_n3A_614 = arith.select %eq3A_609, %broadcast_in_dim3A_612, %broadcast_in_dim3A_613 : vector<16xi1>, vector<16xi32>
    %min3A_615 = arith.minsi %min3A_608, %select_n3A_614 : vector<16xi32>
    %broadcast_in_dim3A_616 = arith.constant 0xFF800000 : f32
    %broadcast_in_dim3A_617 = vector.broadcast %broadcast_in_dim3A_616 : f32 to vector<16xf32>
    %eq3A_618 = arith.constant 0 : i32
    %eq3A_619 = vector.broadcast %eq3A_618 : i32 to vector<16xi32>
    %eq3A_620 = arith.cmpi eq, %min3A_615, %eq3A_619 : vector<16xi32>
    %jit3A_621 = arith.constant 0xFF800000 : f32
    %broadcast_in_dim3A_622 = vector.broadcast %jit3A_621 : f32 to vector<16xf32>
    %select_n3A_623 = arith.select %eq3A_620, %broadcast_in_dim3A_622, %get3A_515 : vector<16xi1>, vector<16xf32>
    %max3A_624 = arith.maximumf %broadcast_in_dim3A_617, %select_n3A_623 : vector<16xf32>
    %eq3A_625 = arith.constant 1 : i32
    %eq3A_626 = vector.broadcast %eq3A_625 : i32 to vector<16xi32>
    %eq3A_627 = arith.cmpi eq, %min3A_615, %eq3A_626 : vector<16xi32>
    %jit3A_628 = arith.constant 0xFF800000 : f32
    %broadcast_in_dim3A_629 = vector.broadcast %jit3A_628 : f32 to vector<16xf32>
    %select_n3A_630 = arith.select %eq3A_627, %broadcast_in_dim3A_629, %get3A_520 : vector<16xi1>, vector<16xf32>
    %max3A_631 = arith.maximumf %max3A_624, %select_n3A_630 : vector<16xf32>
    %eq3A_632 = arith.constant 2 : i32
    %eq3A_633 = vector.broadcast %eq3A_632 : i32 to vector<16xi32>
    %eq3A_634 = arith.cmpi eq, %min3A_615, %eq3A_633 : vector<16xi32>
    %jit3A_635 = arith.constant 0xFF800000 : f32
    %broadcast_in_dim3A_636 = vector.broadcast %jit3A_635 : f32 to vector<16xf32>
    %select_n3A_637 = arith.select %eq3A_634, %broadcast_in_dim3A_636, %get3A_525 : vector<16xi1>, vector<16xf32>
    %max3A_638 = arith.maximumf %max3A_631, %select_n3A_637 : vector<16xf32>
    %eq3A_639 = arith.constant 3 : i32
    %eq3A_640 = vector.broadcast %eq3A_639 : i32 to vector<16xi32>
    %eq3A_641 = arith.cmpi eq, %min3A_615, %eq3A_640 : vector<16xi32>
    %jit3A_642 = arith.constant 0xFF800000 : f32
    %broadcast_in_dim3A_643 = vector.broadcast %jit3A_642 : f32 to vector<16xf32>
    %select_n3A_644 = arith.select %eq3A_641, %broadcast_in_dim3A_643, %get3A_530 : vector<16xi1>, vector<16xf32>
    %max3A_645 = arith.maximumf %max3A_638, %select_n3A_644 : vector<16xf32>
    %eq3A_646 = arith.constant 4 : i32
    %eq3A_647 = vector.broadcast %eq3A_646 : i32 to vector<16xi32>
    %eq3A_648 = arith.cmpi eq, %min3A_615, %eq3A_647 : vector<16xi32>
    %jit3A_649 = arith.constant 0xFF800000 : f32
    %broadcast_in_dim3A_650 = vector.broadcast %jit3A_649 : f32 to vector<16xf32>
    %select_n3A_651 = arith.select %eq3A_648, %broadcast_in_dim3A_650, %get3A_535 : vector<16xi1>, vector<16xf32>
    %max3A_652 = arith.maximumf %max3A_645, %select_n3A_651 : vector<16xf32>
    %eq3A_653 = arith.constant 5 : i32
    %eq3A_654 = vector.broadcast %eq3A_653 : i32 to vector<16xi32>
    %eq3A_655 = arith.cmpi eq, %min3A_615, %eq3A_654 : vector<16xi32>
    %jit3A_656 = arith.constant 0xFF800000 : f32
    %broadcast_in_dim3A_657 = vector.broadcast %jit3A_656 : f32 to vector<16xf32>
    %select_n3A_658 = arith.select %eq3A_655, %broadcast_in_dim3A_657, %get3A_540 : vector<16xi1>, vector<16xf32>
    %max3A_659 = arith.maximumf %max3A_652, %select_n3A_658 : vector<16xf32>
    %eq3A_660 = arith.constant 6 : i32
    %eq3A_661 = vector.broadcast %eq3A_660 : i32 to vector<16xi32>
    %eq3A_662 = arith.cmpi eq, %min3A_615, %eq3A_661 : vector<16xi32>
    %jit3A_663 = arith.constant 0xFF800000 : f32
    %broadcast_in_dim3A_664 = vector.broadcast %jit3A_663 : f32 to vector<16xf32>
    %select_n3A_665 = arith.select %eq3A_662, %broadcast_in_dim3A_664, %get3A_545 : vector<16xi1>, vector<16xf32>
    %max3A_666 = arith.maximumf %max3A_659, %select_n3A_665 : vector<16xf32>
    %eq3A_667 = arith.constant 7 : i32
    %eq3A_668 = vector.broadcast %eq3A_667 : i32 to vector<16xi32>
    %eq3A_669 = arith.cmpi eq, %min3A_615, %eq3A_668 : vector<16xi32>
    %jit3A_670 = arith.constant 0xFF800000 : f32
    %broadcast_in_dim3A_671 = vector.broadcast %jit3A_670 : f32 to vector<16xf32>
    %select_n3A_672 = arith.select %eq3A_669, %broadcast_in_dim3A_671, %get3A_550 : vector<16xi1>, vector<16xf32>
    %max3A_673 = arith.maximumf %max3A_666, %select_n3A_672 : vector<16xf32>
    %swap3A_674 = arith.constant 48 : index
    %swap3A_675 = tpu.vector_load %arg8[%swap3A_674] {strides = array<i32>} : memref<128xf32, #tpu.memory_space<vmem>>, vector<16xf32>,
    %swap3A_676 = vector.shape_cast %swap3A_675 : vector<16xf32> to vector<16xf32>
    %swap3A_677 = vector.shape_cast %max3A_557 : vector<16xf32> to vector<16xf32>
    tpu.vector_store %arg8[%swap3A_674], %swap3A_677 {strides = array<i32>} : memref<128xf32, #tpu.memory_space<vmem>>, vector<16xf32>,
    %swap3A_678 = arith.constant 48 : index
    %swap3A_679 = tpu.vector_load %arg9[%swap3A_678] {strides = array<i32>} : memref<128xf32, #tpu.memory_space<vmem>>, vector<16xf32>,
    %swap3A_680 = vector.shape_cast %swap3A_679 : vector<16xf32> to vector<16xf32>
    %swap3A_681 = vector.shape_cast %max3A_673 : vector<16xf32> to vector<16xf32>
    tpu.vector_store %arg9[%swap3A_678], %swap3A_681 {strides = array<i32>} : memref<128xf32, #tpu.memory_space<vmem>>, vector<16xf32>,
    %get3A_682 = arith.constant 0 : i32
    %get3A_683 = arith.index_cast %get3A_682 : i32 to index
    %get3A_684 = arith.constant 64 : index
    %get3A_685 = tpu.vector_load %arg7[%get3A_683, %get3A_684] {strides = array<i32>} : memref<8x128xf32, #tpu.memory_space<vmem>>, vector<1x16xf32>,
    %get3A_686 = vector.shape_cast %get3A_685 : vector<1x16xf32> to vector<16xf32>
    %get3A_687 = arith.constant 1 : i32
    %get3A_688 = arith.index_cast %get3A_687 : i32 to index
    %get3A_689 = arith.constant 64 : index
    %get3A_690 = tpu.vector_load %arg7[%get3A_688, %get3A_689] {strides = array<i32>} : memref<8x128xf32, #tpu.memory_space<vmem>>, vector<1x16xf32>,
    %get3A_691 = vector.shape_cast %get3A_690 : vector<1x16xf32> to vector<16xf32>
    %get3A_692 = arith.constant 2 : i32
    %get3A_693 = arith.index_cast %get3A_692 : i32 to index
    %get3A_694 = arith.constant 64 : index
    %get3A_695 = tpu.vector_load %arg7[%get3A_693, %get3A_694] {strides = array<i32>} : memref<8x128xf32, #tpu.memory_space<vmem>>, vector<1x16xf32>,
    %get3A_696 = vector.shape_cast %get3A_695 : vector<1x16xf32> to vector<16xf32>
    %get3A_697 = arith.constant 3 : i32
    %get3A_698 = arith.index_cast %get3A_697 : i32 to index
    %get3A_699 = arith.constant 64 : index
    %get3A_700 = tpu.vector_load %arg7[%get3A_698, %get3A_699] {strides = array<i32>} : memref<8x128xf32, #tpu.memory_space<vmem>>, vector<1x16xf32>,
    %get3A_701 = vector.shape_cast %get3A_700 : vector<1x16xf32> to vector<16xf32>
    %get3A_702 = arith.constant 4 : i32
    %get3A_703 = arith.index_cast %get3A_702 : i32 to index
    %get3A_704 = arith.constant 64 : index
    %get3A_705 = tpu.vector_load %arg7[%get3A_703, %get3A_704] {strides = array<i32>} : memref<8x128xf32, #tpu.memory_space<vmem>>, vector<1x16xf32>,
    %get3A_706 = vector.shape_cast %get3A_705 : vector<1x16xf32> to vector<16xf32>
    %get3A_707 = arith.constant 5 : i32
    %get3A_708 = arith.index_cast %get3A_707 : i32 to index
    %get3A_709 = arith.constant 64 : index
    %get3A_710 = tpu.vector_load %arg7[%get3A_708, %get3A_709] {strides = array<i32>} : memref<8x128xf32, #tpu.memory_space<vmem>>, vector<1x16xf32>,
    %get3A_711 = vector.shape_cast %get3A_710 : vector<1x16xf32> to vector<16xf32>
    %get3A_712 = arith.constant 6 : i32
    %get3A_713 = arith.index_cast %get3A_712 : i32 to index
    %get3A_714 = arith.constant 64 : index
    %get3A_715 = tpu.vector_load %arg7[%get3A_713, %get3A_714] {strides = array<i32>} : memref<8x128xf32, #tpu.memory_space<vmem>>, vector<1x16xf32>,
    %get3A_716 = vector.shape_cast %get3A_715 : vector<1x16xf32> to vector<16xf32>
    %get3A_717 = arith.constant 7 : i32
    %get3A_718 = arith.index_cast %get3A_717 : i32 to index
    %get3A_719 = arith.constant 64 : index
    %get3A_720 = tpu.vector_load %arg7[%get3A_718, %get3A_719] {strides = array<i32>} : memref<8x128xf32, #tpu.memory_space<vmem>>, vector<1x16xf32>,
    %get3A_721 = vector.shape_cast %get3A_720 : vector<1x16xf32> to vector<16xf32>
    %max3A_722 = arith.maximumf %get3A_686, %get3A_691 : vector<16xf32>
    %max3A_723 = arith.maximumf %max3A_722, %get3A_696 : vector<16xf32>
    %max3A_724 = arith.maximumf %max3A_723, %get3A_701 : vector<16xf32>
    %max3A_725 = arith.maximumf %max3A_724, %get3A_706 : vector<16xf32>
    %max3A_726 = arith.maximumf %max3A_725, %get3A_711 : vector<16xf32>
    %max3A_727 = arith.maximumf %max3A_726, %get3A_716 : vector<16xf32>
    %max3A_728 = arith.maximumf %max3A_727, %get3A_721 : vector<16xf32>
    %broadcast_in_dim3A_729 = arith.constant 8 : i32
    %broadcast_in_dim3A_730 = vector.broadcast %broadcast_in_dim3A_729 : i32 to vector<16xi32>
    %eq3A_731 = arith.cmpf oeq, %get3A_686, %max3A_728 : vector<16xf32>
    %jit3A_732 = arith.constant 0 : i32
    %jit3A_733 = arith.constant 8 : i32
    %broadcast_in_dim3A_734 = vector.broadcast %jit3A_732 : i32 to vector<16xi32>
    %broadcast_in_dim3A_735 = vector.broadcast %jit3A_733 : i32 to vector<16xi32>
    %select_n3A_736 = arith.select %eq3A_731, %broadcast_in_dim3A_734, %broadcast_in_dim3A_735 : vector<16xi1>, vector<16xi32>
    %min3A_737 = arith.minsi %broadcast_in_dim3A_730, %select_n3A_736 : vector<16xi32>
    %eq3A_738 = arith.cmpf oeq, %get3A_691, %max3A_728 : vector<16xf32>
    %jit3A_739 = arith.constant 1 : i32
    %jit3A_740 = arith.constant 8 : i32
    %broadcast_in_dim3A_741 = vector.broadcast %jit3A_739 : i32 to vector<16xi32>
    %broadcast_in_dim3A_742 = vector.broadcast %jit3A_740 : i32 to vector<16xi32>
    %select_n3A_743 = arith.select %eq3A_738, %broadcast_in_dim3A_741, %broadcast_in_dim3A_742 : vector<16xi1>, vector<16xi32>
    %min3A_744 = arith.minsi %min3A_737, %select_n3A_743 : vector<16xi32>
    %eq3A_745 = arith.cmpf oeq, %get3A_696, %max3A_728 : vector<16xf32>
    %jit3A_746 = arith.constant 2 : i32
    %jit3A_747 = arith.constant 8 : i32
    %broadcast_in_dim3A_748 = vector.broadcast %jit3A_746 : i32 to vector<16xi32>
    %broadcast_in_dim3A_749 = vector.broadcast %jit3A_747 : i32 to vector<16xi32>
    %select_n3A_750 = arith.select %eq3A_745, %broadcast_in_dim3A_748, %broadcast_in_dim3A_749 : vector<16xi1>, vector<16xi32>
    %min3A_751 = arith.minsi %min3A_744, %select_n3A_750 : vector<16xi32>
    %eq3A_752 = arith.cmpf oeq, %get3A_701, %max3A_728 : vector<16xf32>
    %jit3A_753 = arith.constant 3 : i32
    %jit3A_754 = arith.constant 8 : i32
    %broadcast_in_dim3A_755 = vector.broadcast %jit3A_753 : i32 to vector<16xi32>
    %broadcast_in_dim3A_756 = vector.broadcast %jit3A_754 : i32 to vector<16xi32>
    %select_n3A_757 = arith.select %eq3A_752, %broadcast_in_dim3A_755, %broadcast_in_dim3A_756 : vector<16xi1>, vector<16xi32>
    %min3A_758 = arith.minsi %min3A_751, %select_n3A_757 : vector<16xi32>
    %eq3A_759 = arith.cmpf oeq, %get3A_706, %max3A_728 : vector<16xf32>
    %jit3A_760 = arith.constant 4 : i32
    %jit3A_761 = arith.constant 8 : i32
    %broadcast_in_dim3A_762 = vector.broadcast %jit3A_760 : i32 to vector<16xi32>
    %broadcast_in_dim3A_763 = vector.broadcast %jit3A_761 : i32 to vector<16xi32>
    %select_n3A_764 = arith.select %eq3A_759, %broadcast_in_dim3A_762, %broadcast_in_dim3A_763 : vector<16xi1>, vector<16xi32>
    %min3A_765 = arith.minsi %min3A_758, %select_n3A_764 : vector<16xi32>
    %eq3A_766 = arith.cmpf oeq, %get3A_711, %max3A_728 : vector<16xf32>
    %jit3A_767 = arith.constant 5 : i32
    %jit3A_768 = arith.constant 8 : i32
    %broadcast_in_dim3A_769 = vector.broadcast %jit3A_767 : i32 to vector<16xi32>
    %broadcast_in_dim3A_770 = vector.broadcast %jit3A_768 : i32 to vector<16xi32>
    %select_n3A_771 = arith.select %eq3A_766, %broadcast_in_dim3A_769, %broadcast_in_dim3A_770 : vector<16xi1>, vector<16xi32>
    %min3A_772 = arith.minsi %min3A_765, %select_n3A_771 : vector<16xi32>
    %eq3A_773 = arith.cmpf oeq, %get3A_716, %max3A_728 : vector<16xf32>
    %jit3A_774 = arith.constant 6 : i32
    %jit3A_775 = arith.constant 8 : i32
    %broadcast_in_dim3A_776 = vector.broadcast %jit3A_774 : i32 to vector<16xi32>
    %broadcast_in_dim3A_777 = vector.broadcast %jit3A_775 : i32 to vector<16xi32>
    %select_n3A_778 = arith.select %eq3A_773, %broadcast_in_dim3A_776, %broadcast_in_dim3A_777 : vector<16xi1>, vector<16xi32>
    %min3A_779 = arith.minsi %min3A_772, %select_n3A_778 : vector<16xi32>
    %eq3A_780 = arith.cmpf oeq, %get3A_721, %max3A_728 : vector<16xf32>
    %jit3A_781 = arith.constant 7 : i32
    %jit3A_782 = arith.constant 8 : i32
    %broadcast_in_dim3A_783 = vector.broadcast %jit3A_781 : i32 to vector<16xi32>
    %broadcast_in_dim3A_784 = vector.broadcast %jit3A_782 : i32 to vector<16xi32>
    %select_n3A_785 = arith.select %eq3A_780, %broadcast_in_dim3A_783, %broadcast_in_dim3A_784 : vector<16xi1>, vector<16xi32>
    %min3A_786 = arith.minsi %min3A_779, %select_n3A_785 : vector<16xi32>
    %broadcast_in_dim3A_787 = arith.constant 0xFF800000 : f32
    %broadcast_in_dim3A_788 = vector.broadcast %broadcast_in_dim3A_787 : f32 to vector<16xf32>
    %eq3A_789 = arith.constant 0 : i32
    %eq3A_790 = vector.broadcast %eq3A_789 : i32 to vector<16xi32>
    %eq3A_791 = arith.cmpi eq, %min3A_786, %eq3A_790 : vector<16xi32>
    %jit3A_792 = arith.constant 0xFF800000 : f32
    %broadcast_in_dim3A_793 = vector.broadcast %jit3A_792 : f32 to vector<16xf32>
    %select_n3A_794 = arith.select %eq3A_791, %broadcast_in_dim3A_793, %get3A_686 : vector<16xi1>, vector<16xf32>
    %max3A_795 = arith.maximumf %broadcast_in_dim3A_788, %select_n3A_794 : vector<16xf32>
    %eq3A_796 = arith.constant 1 : i32
    %eq3A_797 = vector.broadcast %eq3A_796 : i32 to vector<16xi32>
    %eq3A_798 = arith.cmpi eq, %min3A_786, %eq3A_797 : vector<16xi32>
    %jit3A_799 = arith.constant 0xFF800000 : f32
    %broadcast_in_dim3A_800 = vector.broadcast %jit3A_799 : f32 to vector<16xf32>
    %select_n3A_801 = arith.select %eq3A_798, %broadcast_in_dim3A_800, %get3A_691 : vector<16xi1>, vector<16xf32>
    %max3A_802 = arith.maximumf %max3A_795, %select_n3A_801 : vector<16xf32>
    %eq3A_803 = arith.constant 2 : i32
    %eq3A_804 = vector.broadcast %eq3A_803 : i32 to vector<16xi32>
    %eq3A_805 = arith.cmpi eq, %min3A_786, %eq3A_804 : vector<16xi32>
    %jit3A_806 = arith.constant 0xFF800000 : f32
    %broadcast_in_dim3A_807 = vector.broadcast %jit3A_806 : f32 to vector<16xf32>
    %select_n3A_808 = arith.select %eq3A_805, %broadcast_in_dim3A_807, %get3A_696 : vector<16xi1>, vector<16xf32>
    %max3A_809 = arith.maximumf %max3A_802, %select_n3A_808 : vector<16xf32>
    %eq3A_810 = arith.constant 3 : i32
    %eq3A_811 = vector.broadcast %eq3A_810 : i32 to vector<16xi32>
    %eq3A_812 = arith.cmpi eq, %min3A_786, %eq3A_811 : vector<16xi32>
    %jit3A_813 = arith.constant 0xFF800000 : f32
    %broadcast_in_dim3A_814 = vector.broadcast %jit3A_813 : f32 to vector<16xf32>
    %select_n3A_815 = arith.select %eq3A_812, %broadcast_in_dim3A_814, %get3A_701 : vector<16xi1>, vector<16xf32>
    %max3A_816 = arith.maximumf %max3A_809, %select_n3A_815 : vector<16xf32>
    %eq3A_817 = arith.constant 4 : i32
    %eq3A_818 = vector.broadcast %eq3A_817 : i32 to vector<16xi32>
    %eq3A_819 = arith.cmpi eq, %min3A_786, %eq3A_818 : vector<16xi32>
    %jit3A_820 = arith.constant 0xFF800000 : f32
    %broadcast_in_dim3A_821 = vector.broadcast %jit3A_820 : f32 to vector<16xf32>
    %select_n3A_822 = arith.select %eq3A_819, %broadcast_in_dim3A_821, %get3A_706 : vector<16xi1>, vector<16xf32>
    %max3A_823 = arith.maximumf %max3A_816, %select_n3A_822 : vector<16xf32>
    %eq3A_824 = arith.constant 5 : i32
    %eq3A_825 = vector.broadcast %eq3A_824 : i32 to vector<16xi32>
    %eq3A_826 = arith.cmpi eq, %min3A_786, %eq3A_825 : vector<16xi32>
    %jit3A_827 = arith.constant 0xFF800000 : f32
    %broadcast_in_dim3A_828 = vector.broadcast %jit3A_827 : f32 to vector<16xf32>
    %select_n3A_829 = arith.select %eq3A_826, %broadcast_in_dim3A_828, %get3A_711 : vector<16xi1>, vector<16xf32>
    %max3A_830 = arith.maximumf %max3A_823, %select_n3A_829 : vector<16xf32>
    %eq3A_831 = arith.constant 6 : i32
    %eq3A_832 = vector.broadcast %eq3A_831 : i32 to vector<16xi32>
    %eq3A_833 = arith.cmpi eq, %min3A_786, %eq3A_832 : vector<16xi32>
    %jit3A_834 = arith.constant 0xFF800000 : f32
    %broadcast_in_dim3A_835 = vector.broadcast %jit3A_834 : f32 to vector<16xf32>
    %select_n3A_836 = arith.select %eq3A_833, %broadcast_in_dim3A_835, %get3A_716 : vector<16xi1>, vector<16xf32>
    %max3A_837 = arith.maximumf %max3A_830, %select_n3A_836 : vector<16xf32>
    %eq3A_838 = arith.constant 7 : i32
    %eq3A_839 = vector.broadcast %eq3A_838 : i32 to vector<16xi32>
    %eq3A_840 = arith.cmpi eq, %min3A_786, %eq3A_839 : vector<16xi32>
    %jit3A_841 = arith.constant 0xFF800000 : f32
    %broadcast_in_dim3A_842 = vector.broadcast %jit3A_841 : f32 to vector<16xf32>
    %select_n3A_843 = arith.select %eq3A_840, %broadcast_in_dim3A_842, %get3A_721 : vector<16xi1>, vector<16xf32>
    %max3A_844 = arith.maximumf %max3A_837, %select_n3A_843 : vector<16xf32>
    %swap3A_845 = arith.constant 64 : index
    %swap3A_846 = tpu.vector_load %arg8[%swap3A_845] {strides = array<i32>} : memref<128xf32, #tpu.memory_space<vmem>>, vector<16xf32>,
    %swap3A_847 = vector.shape_cast %swap3A_846 : vector<16xf32> to vector<16xf32>
    %swap3A_848 = vector.shape_cast %max3A_728 : vector<16xf32> to vector<16xf32>
    tpu.vector_store %arg8[%swap3A_845], %swap3A_848 {strides = array<i32>} : memref<128xf32, #tpu.memory_space<vmem>>, vector<16xf32>,
    %swap3A_849 = arith.constant 64 : index
    %swap3A_850 = tpu.vector_load %arg9[%swap3A_849] {strides = array<i32>} : memref<128xf32, #tpu.memory_space<vmem>>, vector<16xf32>,
    %swap3A_851 = vector.shape_cast %swap3A_850 : vector<16xf32> to vector<16xf32>
    %swap3A_852 = vector.shape_cast %max3A_844 : vector<16xf32> to vector<16xf32>
    tpu.vector_store %arg9[%swap3A_849], %swap3A_852 {strides = array<i32>} : memref<128xf32, #tpu.memory_space<vmem>>, vector<16xf32>,
    %get3A_853 = arith.constant 0 : i32
    %get3A_854 = arith.index_cast %get3A_853 : i32 to index
    %get3A_855 = arith.constant 80 : index
    %get3A_856 = tpu.vector_load %arg7[%get3A_854, %get3A_855] {strides = array<i32>} : memref<8x128xf32, #tpu.memory_space<vmem>>, vector<1x16xf32>,
    %get3A_857 = vector.shape_cast %get3A_856 : vector<1x16xf32> to vector<16xf32>
    %get3A_858 = arith.constant 1 : i32
    %get3A_859 = arith.index_cast %get3A_858 : i32 to index
    %get3A_860 = arith.constant 80 : index
    %get3A_861 = tpu.vector_load %arg7[%get3A_859, %get3A_860] {strides = array<i32>} : memref<8x128xf32, #tpu.memory_space<vmem>>, vector<1x16xf32>,
    %get3A_862 = vector.shape_cast %get3A_861 : vector<1x16xf32> to vector<16xf32>
    %get3A_863 = arith.constant 2 : i32
    %get3A_864 = arith.index_cast %get3A_863 : i32 to index
    %get3A_865 = arith.constant 80 : index
    %get3A_866 = tpu.vector_load %arg7[%get3A_864, %get3A_865] {strides = array<i32>} : memref<8x128xf32, #tpu.memory_space<vmem>>, vector<1x16xf32>,
    %get3A_867 = vector.shape_cast %get3A_866 : vector<1x16xf32> to vector<16xf32>
    %get3A_868 = arith.constant 3 : i32
    %get3A_869 = arith.index_cast %get3A_868 : i32 to index
    %get3A_870 = arith.constant 80 : index
    %get3A_871 = tpu.vector_load %arg7[%get3A_869, %get3A_870] {strides = array<i32>} : memref<8x128xf32, #tpu.memory_space<vmem>>, vector<1x16xf32>,
    %get3A_872 = vector.shape_cast %get3A_871 : vector<1x16xf32> to vector<16xf32>
    %get3A_873 = arith.constant 4 : i32
    %get3A_874 = arith.index_cast %get3A_873 : i32 to index
    %get3A_875 = arith.constant 80 : index
    %get3A_876 = tpu.vector_load %arg7[%get3A_874, %get3A_875] {strides = array<i32>} : memref<8x128xf32, #tpu.memory_space<vmem>>, vector<1x16xf32>,
    %get3A_877 = vector.shape_cast %get3A_876 : vector<1x16xf32> to vector<16xf32>
    %get3A_878 = arith.constant 5 : i32
    %get3A_879 = arith.index_cast %get3A_878 : i32 to index
    %get3A_880 = arith.constant 80 : index
    %get3A_881 = tpu.vector_load %arg7[%get3A_879, %get3A_880] {strides = array<i32>} : memref<8x128xf32, #tpu.memory_space<vmem>>, vector<1x16xf32>,
    %get3A_882 = vector.shape_cast %get3A_881 : vector<1x16xf32> to vector<16xf32>
    %get3A_883 = arith.constant 6 : i32
    %get3A_884 = arith.index_cast %get3A_883 : i32 to index
    %get3A_885 = arith.constant 80 : index
    %get3A_886 = tpu.vector_load %arg7[%get3A_884, %get3A_885] {strides = array<i32>} : memref<8x128xf32, #tpu.memory_space<vmem>>, vector<1x16xf32>,
    %get3A_887 = vector.shape_cast %get3A_886 : vector<1x16xf32> to vector<16xf32>
    %get3A_888 = arith.constant 7 : i32
    %get3A_889 = arith.index_cast %get3A_888 : i32 to index
    %get3A_890 = arith.constant 80 : index
    %get3A_891 = tpu.vector_load %arg7[%get3A_889, %get3A_890] {strides = array<i32>} : memref<8x128xf32, #tpu.memory_space<vmem>>, vector<1x16xf32>,
    %get3A_892 = vector.shape_cast %get3A_891 : vector<1x16xf32> to vector<16xf32>
    %max3A_893 = arith.maximumf %get3A_857, %get3A_862 : vector<16xf32>
    %max3A_894 = arith.maximumf %max3A_893, %get3A_867 : vector<16xf32>
    %max3A_895 = arith.maximumf %max3A_894, %get3A_872 : vector<16xf32>
    %max3A_896 = arith.maximumf %max3A_895, %get3A_877 : vector<16xf32>
    %max3A_897 = arith.maximumf %max3A_896, %get3A_882 : vector<16xf32>
    %max3A_898 = arith.maximumf %max3A_897, %get3A_887 : vector<16xf32>
    %max3A_899 = arith.maximumf %max3A_898, %get3A_892 : vector<16xf32>
    %broadcast_in_dim3A_900 = arith.constant 8 : i32
    %broadcast_in_dim3A_901 = vector.broadcast %broadcast_in_dim3A_900 : i32 to vector<16xi32>
    %eq3A_902 = arith.cmpf oeq, %get3A_857, %max3A_899 : vector<16xf32>
    %jit3A_903 = arith.constant 0 : i32
    %jit3A_904 = arith.constant 8 : i32
    %broadcast_in_dim3A_905 = vector.broadcast %jit3A_903 : i32 to vector<16xi32>
    %broadcast_in_dim3A_906 = vector.broadcast %jit3A_904 : i32 to vector<16xi32>
    %select_n3A_907 = arith.select %eq3A_902, %broadcast_in_dim3A_905, %broadcast_in_dim3A_906 : vector<16xi1>, vector<16xi32>
    %min3A_908 = arith.minsi %broadcast_in_dim3A_901, %select_n3A_907 : vector<16xi32>
    %eq3A_909 = arith.cmpf oeq, %get3A_862, %max3A_899 : vector<16xf32>
    %jit3A_910 = arith.constant 1 : i32
    %jit3A_911 = arith.constant 8 : i32
    %broadcast_in_dim3A_912 = vector.broadcast %jit3A_910 : i32 to vector<16xi32>
    %broadcast_in_dim3A_913 = vector.broadcast %jit3A_911 : i32 to vector<16xi32>
    %select_n3A_914 = arith.select %eq3A_909, %broadcast_in_dim3A_912, %broadcast_in_dim3A_913 : vector<16xi1>, vector<16xi32>
    %min3A_915 = arith.minsi %min3A_908, %select_n3A_914 : vector<16xi32>
    %eq3A_916 = arith.cmpf oeq, %get3A_867, %max3A_899 : vector<16xf32>
    %jit3A_917 = arith.constant 2 : i32
    %jit3A_918 = arith.constant 8 : i32
    %broadcast_in_dim3A_919 = vector.broadcast %jit3A_917 : i32 to vector<16xi32>
    %broadcast_in_dim3A_920 = vector.broadcast %jit3A_918 : i32 to vector<16xi32>
    %select_n3A_921 = arith.select %eq3A_916, %broadcast_in_dim3A_919, %broadcast_in_dim3A_920 : vector<16xi1>, vector<16xi32>
    %min3A_922 = arith.minsi %min3A_915, %select_n3A_921 : vector<16xi32>
    %eq3A_923 = arith.cmpf oeq, %get3A_872, %max3A_899 : vector<16xf32>
    %jit3A_924 = arith.constant 3 : i32
    %jit3A_925 = arith.constant 8 : i32
    %broadcast_in_dim3A_926 = vector.broadcast %jit3A_924 : i32 to vector<16xi32>
    %broadcast_in_dim3A_927 = vector.broadcast %jit3A_925 : i32 to vector<16xi32>
    %select_n3A_928 = arith.select %eq3A_923, %broadcast_in_dim3A_926, %broadcast_in_dim3A_927 : vector<16xi1>, vector<16xi32>
    %min3A_929 = arith.minsi %min3A_922, %select_n3A_928 : vector<16xi32>
    %eq3A_930 = arith.cmpf oeq, %get3A_877, %max3A_899 : vector<16xf32>
    %jit3A_931 = arith.constant 4 : i32
    %jit3A_932 = arith.constant 8 : i32
    %broadcast_in_dim3A_933 = vector.broadcast %jit3A_931 : i32 to vector<16xi32>
    %broadcast_in_dim3A_934 = vector.broadcast %jit3A_932 : i32 to vector<16xi32>
    %select_n3A_935 = arith.select %eq3A_930, %broadcast_in_dim3A_933, %broadcast_in_dim3A_934 : vector<16xi1>, vector<16xi32>
    %min3A_936 = arith.minsi %min3A_929, %select_n3A_935 : vector<16xi32>
    %eq3A_937 = arith.cmpf oeq, %get3A_882, %max3A_899 : vector<16xf32>
    %jit3A_938 = arith.constant 5 : i32
    %jit3A_939 = arith.constant 8 : i32
    %broadcast_in_dim3A_940 = vector.broadcast %jit3A_938 : i32 to vector<16xi32>
    %broadcast_in_dim3A_941 = vector.broadcast %jit3A_939 : i32 to vector<16xi32>
    %select_n3A_942 = arith.select %eq3A_937, %broadcast_in_dim3A_940, %broadcast_in_dim3A_941 : vector<16xi1>, vector<16xi32>
    %min3A_943 = arith.minsi %min3A_936, %select_n3A_942 : vector<16xi32>
    %eq3A_944 = arith.cmpf oeq, %get3A_887, %max3A_899 : vector<16xf32>
    %jit3A_945 = arith.constant 6 : i32
    %jit3A_946 = arith.constant 8 : i32
    %broadcast_in_dim3A_947 = vector.broadcast %jit3A_945 : i32 to vector<16xi32>
    %broadcast_in_dim3A_948 = vector.broadcast %jit3A_946 : i32 to vector<16xi32>
    %select_n3A_949 = arith.select %eq3A_944, %broadcast_in_dim3A_947, %broadcast_in_dim3A_948 : vector<16xi1>, vector<16xi32>
    %min3A_950 = arith.minsi %min3A_943, %select_n3A_949 : vector<16xi32>
    %eq3A_951 = arith.cmpf oeq, %get3A_892, %max3A_899 : vector<16xf32>
    %jit3A_952 = arith.constant 7 : i32
    %jit3A_953 = arith.constant 8 : i32
    %broadcast_in_dim3A_954 = vector.broadcast %jit3A_952 : i32 to vector<16xi32>
    %broadcast_in_dim3A_955 = vector.broadcast %jit3A_953 : i32 to vector<16xi32>
    %select_n3A_956 = arith.select %eq3A_951, %broadcast_in_dim3A_954, %broadcast_in_dim3A_955 : vector<16xi1>, vector<16xi32>
    %min3A_957 = arith.minsi %min3A_950, %select_n3A_956 : vector<16xi32>
    %broadcast_in_dim3A_958 = arith.constant 0xFF800000 : f32
    %broadcast_in_dim3A_959 = vector.broadcast %broadcast_in_dim3A_958 : f32 to vector<16xf32>
    %eq3A_960 = arith.constant 0 : i32
    %eq3A_961 = vector.broadcast %eq3A_960 : i32 to vector<16xi32>
    %eq3A_962 = arith.cmpi eq, %min3A_957, %eq3A_961 : vector<16xi32>
    %jit3A_963 = arith.constant 0xFF800000 : f32
    %broadcast_in_dim3A_964 = vector.broadcast %jit3A_963 : f32 to vector<16xf32>
    %select_n3A_965 = arith.select %eq3A_962, %broadcast_in_dim3A_964, %get3A_857 : vector<16xi1>, vector<16xf32>
    %max3A_966 = arith.maximumf %broadcast_in_dim3A_959, %select_n3A_965 : vector<16xf32>
    %eq3A_967 = arith.constant 1 : i32
    %eq3A_968 = vector.broadcast %eq3A_967 : i32 to vector<16xi32>
    %eq3A_969 = arith.cmpi eq, %min3A_957, %eq3A_968 : vector<16xi32>
    %jit3A_970 = arith.constant 0xFF800000 : f32
    %broadcast_in_dim3A_971 = vector.broadcast %jit3A_970 : f32 to vector<16xf32>
    %select_n3A_972 = arith.select %eq3A_969, %broadcast_in_dim3A_971, %get3A_862 : vector<16xi1>, vector<16xf32>
    %max3A_973 = arith.maximumf %max3A_966, %select_n3A_972 : vector<16xf32>
    %eq3A_974 = arith.constant 2 : i32
    %eq3A_975 = vector.broadcast %eq3A_974 : i32 to vector<16xi32>
    %eq3A_976 = arith.cmpi eq, %min3A_957, %eq3A_975 : vector<16xi32>
    %jit3A_977 = arith.constant 0xFF800000 : f32
    %broadcast_in_dim3A_978 = vector.broadcast %jit3A_977 : f32 to vector<16xf32>
    %select_n3A_979 = arith.select %eq3A_976, %broadcast_in_dim3A_978, %get3A_867 : vector<16xi1>, vector<16xf32>
    %max3A_980 = arith.maximumf %max3A_973, %select_n3A_979 : vector<16xf32>
    %eq3A_981 = arith.constant 3 : i32
    %eq3A_982 = vector.broadcast %eq3A_981 : i32 to vector<16xi32>
    %eq3A_983 = arith.cmpi eq, %min3A_957, %eq3A_982 : vector<16xi32>
    %jit3A_984 = arith.constant 0xFF800000 : f32
    %broadcast_in_dim3A_985 = vector.broadcast %jit3A_984 : f32 to vector<16xf32>
    %select_n3A_986 = arith.select %eq3A_983, %broadcast_in_dim3A_985, %get3A_872 : vector<16xi1>, vector<16xf32>
    %max3A_987 = arith.maximumf %max3A_980, %select_n3A_986 : vector<16xf32>
    %eq3A_988 = arith.constant 4 : i32
    %eq3A_989 = vector.broadcast %eq3A_988 : i32 to vector<16xi32>
    %eq3A_990 = arith.cmpi eq, %min3A_957, %eq3A_989 : vector<16xi32>
    %jit3A_991 = arith.constant 0xFF800000 : f32
    %broadcast_in_dim3A_992 = vector.broadcast %jit3A_991 : f32 to vector<16xf32>
    %select_n3A_993 = arith.select %eq3A_990, %broadcast_in_dim3A_992, %get3A_877 : vector<16xi1>, vector<16xf32>
    %max3A_994 = arith.maximumf %max3A_987, %select_n3A_993 : vector<16xf32>
    %eq3A_995 = arith.constant 5 : i32
    %eq3A_996 = vector.broadcast %eq3A_995 : i32 to vector<16xi32>
    %eq3A_997 = arith.cmpi eq, %min3A_957, %eq3A_996 : vector<16xi32>
    %jit3A_998 = arith.constant 0xFF800000 : f32
    %broadcast_in_dim3A_999 = vector.broadcast %jit3A_998 : f32 to vector<16xf32>
    %select_n3A_1000 = arith.select %eq3A_997, %broadcast_in_dim3A_999, %get3A_882 : vector<16xi1>, vector<16xf32>
    %max3A_1001 = arith.maximumf %max3A_994, %select_n3A_1000 : vector<16xf32>
    %eq3A_1002 = arith.constant 6 : i32
    %eq3A_1003 = vector.broadcast %eq3A_1002 : i32 to vector<16xi32>
    %eq3A_1004 = arith.cmpi eq, %min3A_957, %eq3A_1003 : vector<16xi32>
    %jit3A_1005 = arith.constant 0xFF800000 : f32
    %broadcast_in_dim3A_1006 = vector.broadcast %jit3A_1005 : f32 to vector<16xf32>
    %select_n3A_1007 = arith.select %eq3A_1004, %broadcast_in_dim3A_1006, %get3A_887 : vector<16xi1>, vector<16xf32>
    %max3A_1008 = arith.maximumf %max3A_1001, %select_n3A_1007 : vector<16xf32>
    %eq3A_1009 = arith.constant 7 : i32
    %eq3A_1010 = vector.broadcast %eq3A_1009 : i32 to vector<16xi32>
    %eq3A_1011 = arith.cmpi eq, %min3A_957, %eq3A_1010 : vector<16xi32>
    %jit3A_1012 = arith.constant 0xFF800000 : f32
    %broadcast_in_dim3A_1013 = vector.broadcast %jit3A_1012 : f32 to vector<16xf32>
    %select_n3A_1014 = arith.select %eq3A_1011, %broadcast_in_dim3A_1013, %get3A_892 : vector<16xi1>, vector<16xf32>
    %max3A_1015 = arith.maximumf %max3A_1008, %select_n3A_1014 : vector<16xf32>
    %swap3A_1016 = arith.constant 80 : index
    %swap3A_1017 = tpu.vector_load %arg8[%swap3A_1016] {strides = array<i32>} : memref<128xf32, #tpu.memory_space<vmem>>, vector<16xf32>,
    %swap3A_1018 = vector.shape_cast %swap3A_1017 : vector<16xf32> to vector<16xf32>
    %swap3A_1019 = vector.shape_cast %max3A_899 : vector<16xf32> to vector<16xf32>
    tpu.vector_store %arg8[%swap3A_1016], %swap3A_1019 {strides = array<i32>} : memref<128xf32, #tpu.memory_space<vmem>>, vector<16xf32>,
    %swap3A_1020 = arith.constant 80 : index
    %swap3A_1021 = tpu.vector_load %arg9[%swap3A_1020] {strides = array<i32>} : memref<128xf32, #tpu.memory_space<vmem>>, vector<16xf32>,
    %swap3A_1022 = vector.shape_cast %swap3A_1021 : vector<16xf32> to vector<16xf32>
    %swap3A_1023 = vector.shape_cast %max3A_1015 : vector<16xf32> to vector<16xf32>
    tpu.vector_store %arg9[%swap3A_1020], %swap3A_1023 {strides = array<i32>} : memref<128xf32, #tpu.memory_space<vmem>>, vector<16xf32>,
    %get3A_1024 = arith.constant 0 : i32
    %get3A_1025 = arith.index_cast %get3A_1024 : i32 to index
    %get3A_1026 = arith.constant 96 : index
    %get3A_1027 = tpu.vector_load %arg7[%get3A_1025, %get3A_1026] {strides = array<i32>} : memref<8x128xf32, #tpu.memory_space<vmem>>, vector<1x16xf32>,
    %get3A_1028 = vector.shape_cast %get3A_1027 : vector<1x16xf32> to vector<16xf32>
    %get3A_1029 = arith.constant 1 : i32
    %get3A_1030 = arith.index_cast %get3A_1029 : i32 to index
    %get3A_1031 = arith.constant 96 : index
    %get3A_1032 = tpu.vector_load %arg7[%get3A_1030, %get3A_1031] {strides = array<i32>} : memref<8x128xf32, #tpu.memory_space<vmem>>, vector<1x16xf32>,
    %get3A_1033 = vector.shape_cast %get3A_1032 : vector<1x16xf32> to vector<16xf32>
    %get3A_1034 = arith.constant 2 : i32
    %get3A_1035 = arith.index_cast %get3A_1034 : i32 to index
    %get3A_1036 = arith.constant 96 : index
    %get3A_1037 = tpu.vector_load %arg7[%get3A_1035, %get3A_1036] {strides = array<i32>} : memref<8x128xf32, #tpu.memory_space<vmem>>, vector<1x16xf32>,
    %get3A_1038 = vector.shape_cast %get3A_1037 : vector<1x16xf32> to vector<16xf32>
    %get3A_1039 = arith.constant 3 : i32
    %get3A_1040 = arith.index_cast %get3A_1039 : i32 to index
    %get3A_1041 = arith.constant 96 : index
    %get3A_1042 = tpu.vector_load %arg7[%get3A_1040, %get3A_1041] {strides = array<i32>} : memref<8x128xf32, #tpu.memory_space<vmem>>, vector<1x16xf32>,
    %get3A_1043 = vector.shape_cast %get3A_1042 : vector<1x16xf32> to vector<16xf32>
    %get3A_1044 = arith.constant 4 : i32
    %get3A_1045 = arith.index_cast %get3A_1044 : i32 to index
    %get3A_1046 = arith.constant 96 : index
    %get3A_1047 = tpu.vector_load %arg7[%get3A_1045, %get3A_1046] {strides = array<i32>} : memref<8x128xf32, #tpu.memory_space<vmem>>, vector<1x16xf32>,
    %get3A_1048 = vector.shape_cast %get3A_1047 : vector<1x16xf32> to vector<16xf32>
    %get3A_1049 = arith.constant 5 : i32
    %get3A_1050 = arith.index_cast %get3A_1049 : i32 to index
    %get3A_1051 = arith.constant 96 : index
    %get3A_1052 = tpu.vector_load %arg7[%get3A_1050, %get3A_1051] {strides = array<i32>} : memref<8x128xf32, #tpu.memory_space<vmem>>, vector<1x16xf32>,
    %get3A_1053 = vector.shape_cast %get3A_1052 : vector<1x16xf32> to vector<16xf32>
    %get3A_1054 = arith.constant 6 : i32
    %get3A_1055 = arith.index_cast %get3A_1054 : i32 to index
    %get3A_1056 = arith.constant 96 : index
    %get3A_1057 = tpu.vector_load %arg7[%get3A_1055, %get3A_1056] {strides = array<i32>} : memref<8x128xf32, #tpu.memory_space<vmem>>, vector<1x16xf32>,
    %get3A_1058 = vector.shape_cast %get3A_1057 : vector<1x16xf32> to vector<16xf32>
    %get3A_1059 = arith.constant 7 : i32
    %get3A_1060 = arith.index_cast %get3A_1059 : i32 to index
    %get3A_1061 = arith.constant 96 : index
    %get3A_1062 = tpu.vector_load %arg7[%get3A_1060, %get3A_1061] {strides = array<i32>} : memref<8x128xf32, #tpu.memory_space<vmem>>, vector<1x16xf32>,
    %get3A_1063 = vector.shape_cast %get3A_1062 : vector<1x16xf32> to vector<16xf32>
    %max3A_1064 = arith.maximumf %get3A_1028, %get3A_1033 : vector<16xf32>
    %max3A_1065 = arith.maximumf %max3A_1064, %get3A_1038 : vector<16xf32>
    %max3A_1066 = arith.maximumf %max3A_1065, %get3A_1043 : vector<16xf32>
    %max3A_1067 = arith.maximumf %max3A_1066, %get3A_1048 : vector<16xf32>
    %max3A_1068 = arith.maximumf %max3A_1067, %get3A_1053 : vector<16xf32>
    %max3A_1069 = arith.maximumf %max3A_1068, %get3A_1058 : vector<16xf32>
    %max3A_1070 = arith.maximumf %max3A_1069, %get3A_1063 : vector<16xf32>
    %broadcast_in_dim3A_1071 = arith.constant 8 : i32
    %broadcast_in_dim3A_1072 = vector.broadcast %broadcast_in_dim3A_1071 : i32 to vector<16xi32>
    %eq3A_1073 = arith.cmpf oeq, %get3A_1028, %max3A_1070 : vector<16xf32>
    %jit3A_1074 = arith.constant 0 : i32
    %jit3A_1075 = arith.constant 8 : i32
    %broadcast_in_dim3A_1076 = vector.broadcast %jit3A_1074 : i32 to vector<16xi32>
    %broadcast_in_dim3A_1077 = vector.broadcast %jit3A_1075 : i32 to vector<16xi32>
    %select_n3A_1078 = arith.select %eq3A_1073, %broadcast_in_dim3A_1076, %broadcast_in_dim3A_1077 : vector<16xi1>, vector<16xi32>
    %min3A_1079 = arith.minsi %broadcast_in_dim3A_1072, %select_n3A_1078 : vector<16xi32>
    %eq3A_1080 = arith.cmpf oeq, %get3A_1033, %max3A_1070 : vector<16xf32>
    %jit3A_1081 = arith.constant 1 : i32
    %jit3A_1082 = arith.constant 8 : i32
    %broadcast_in_dim3A_1083 = vector.broadcast %jit3A_1081 : i32 to vector<16xi32>
    %broadcast_in_dim3A_1084 = vector.broadcast %jit3A_1082 : i32 to vector<16xi32>
    %select_n3A_1085 = arith.select %eq3A_1080, %broadcast_in_dim3A_1083, %broadcast_in_dim3A_1084 : vector<16xi1>, vector<16xi32>
    %min3A_1086 = arith.minsi %min3A_1079, %select_n3A_1085 : vector<16xi32>
    %eq3A_1087 = arith.cmpf oeq, %get3A_1038, %max3A_1070 : vector<16xf32>
    %jit3A_1088 = arith.constant 2 : i32
    %jit3A_1089 = arith.constant 8 : i32
    %broadcast_in_dim3A_1090 = vector.broadcast %jit3A_1088 : i32 to vector<16xi32>
    %broadcast_in_dim3A_1091 = vector.broadcast %jit3A_1089 : i32 to vector<16xi32>
    %select_n3A_1092 = arith.select %eq3A_1087, %broadcast_in_dim3A_1090, %broadcast_in_dim3A_1091 : vector<16xi1>, vector<16xi32>
    %min3A_1093 = arith.minsi %min3A_1086, %select_n3A_1092 : vector<16xi32>
    %eq3A_1094 = arith.cmpf oeq, %get3A_1043, %max3A_1070 : vector<16xf32>
    %jit3A_1095 = arith.constant 3 : i32
    %jit3A_1096 = arith.constant 8 : i32
    %broadcast_in_dim3A_1097 = vector.broadcast %jit3A_1095 : i32 to vector<16xi32>
    %broadcast_in_dim3A_1098 = vector.broadcast %jit3A_1096 : i32 to vector<16xi32>
    %select_n3A_1099 = arith.select %eq3A_1094, %broadcast_in_dim3A_1097, %broadcast_in_dim3A_1098 : vector<16xi1>, vector<16xi32>
    %min3A_1100 = arith.minsi %min3A_1093, %select_n3A_1099 : vector<16xi32>
    %eq3A_1101 = arith.cmpf oeq, %get3A_1048, %max3A_1070 : vector<16xf32>
    %jit3A_1102 = arith.constant 4 : i32
    %jit3A_1103 = arith.constant 8 : i32
    %broadcast_in_dim3A_1104 = vector.broadcast %jit3A_1102 : i32 to vector<16xi32>
    %broadcast_in_dim3A_1105 = vector.broadcast %jit3A_1103 : i32 to vector<16xi32>
    %select_n3A_1106 = arith.select %eq3A_1101, %broadcast_in_dim3A_1104, %broadcast_in_dim3A_1105 : vector<16xi1>, vector<16xi32>
    %min3A_1107 = arith.minsi %min3A_1100, %select_n3A_1106 : vector<16xi32>
    %eq3A_1108 = arith.cmpf oeq, %get3A_1053, %max3A_1070 : vector<16xf32>
    %jit3A_1109 = arith.constant 5 : i32
    %jit3A_1110 = arith.constant 8 : i32
    %broadcast_in_dim3A_1111 = vector.broadcast %jit3A_1109 : i32 to vector<16xi32>
    %broadcast_in_dim3A_1112 = vector.broadcast %jit3A_1110 : i32 to vector<16xi32>
    %select_n3A_1113 = arith.select %eq3A_1108, %broadcast_in_dim3A_1111, %broadcast_in_dim3A_1112 : vector<16xi1>, vector<16xi32>
    %min3A_1114 = arith.minsi %min3A_1107, %select_n3A_1113 : vector<16xi32>
    %eq3A_1115 = arith.cmpf oeq, %get3A_1058, %max3A_1070 : vector<16xf32>
    %jit3A_1116 = arith.constant 6 : i32
    %jit3A_1117 = arith.constant 8 : i32
    %broadcast_in_dim3A_1118 = vector.broadcast %jit3A_1116 : i32 to vector<16xi32>
    %broadcast_in_dim3A_1119 = vector.broadcast %jit3A_1117 : i32 to vector<16xi32>
    %select_n3A_1120 = arith.select %eq3A_1115, %broadcast_in_dim3A_1118, %broadcast_in_dim3A_1119 : vector<16xi1>, vector<16xi32>
    %min3A_1121 = arith.minsi %min3A_1114, %select_n3A_1120 : vector<16xi32>
    %eq3A_1122 = arith.cmpf oeq, %get3A_1063, %max3A_1070 : vector<16xf32>
    %jit3A_1123 = arith.constant 7 : i32
    %jit3A_1124 = arith.constant 8 : i32
    %broadcast_in_dim3A_1125 = vector.broadcast %jit3A_1123 : i32 to vector<16xi32>
    %broadcast_in_dim3A_1126 = vector.broadcast %jit3A_1124 : i32 to vector<16xi32>
    %select_n3A_1127 = arith.select %eq3A_1122, %broadcast_in_dim3A_1125, %broadcast_in_dim3A_1126 : vector<16xi1>, vector<16xi32>
    %min3A_1128 = arith.minsi %min3A_1121, %select_n3A_1127 : vector<16xi32>
    %broadcast_in_dim3A_1129 = arith.constant 0xFF800000 : f32
    %broadcast_in_dim3A_1130 = vector.broadcast %broadcast_in_dim3A_1129 : f32 to vector<16xf32>
    %eq3A_1131 = arith.constant 0 : i32
    %eq3A_1132 = vector.broadcast %eq3A_1131 : i32 to vector<16xi32>
    %eq3A_1133 = arith.cmpi eq, %min3A_1128, %eq3A_1132 : vector<16xi32>
    %jit3A_1134 = arith.constant 0xFF800000 : f32
    %broadcast_in_dim3A_1135 = vector.broadcast %jit3A_1134 : f32 to vector<16xf32>
    %select_n3A_1136 = arith.select %eq3A_1133, %broadcast_in_dim3A_1135, %get3A_1028 : vector<16xi1>, vector<16xf32>
    %max3A_1137 = arith.maximumf %broadcast_in_dim3A_1130, %select_n3A_1136 : vector<16xf32>
    %eq3A_1138 = arith.constant 1 : i32
    %eq3A_1139 = vector.broadcast %eq3A_1138 : i32 to vector<16xi32>
    %eq3A_1140 = arith.cmpi eq, %min3A_1128, %eq3A_1139 : vector<16xi32>
    %jit3A_1141 = arith.constant 0xFF800000 : f32
    %broadcast_in_dim3A_1142 = vector.broadcast %jit3A_1141 : f32 to vector<16xf32>
    %select_n3A_1143 = arith.select %eq3A_1140, %broadcast_in_dim3A_1142, %get3A_1033 : vector<16xi1>, vector<16xf32>
    %max3A_1144 = arith.maximumf %max3A_1137, %select_n3A_1143 : vector<16xf32>
    %eq3A_1145 = arith.constant 2 : i32
    %eq3A_1146 = vector.broadcast %eq3A_1145 : i32 to vector<16xi32>
    %eq3A_1147 = arith.cmpi eq, %min3A_1128, %eq3A_1146 : vector<16xi32>
    %jit3A_1148 = arith.constant 0xFF800000 : f32
    %broadcast_in_dim3A_1149 = vector.broadcast %jit3A_1148 : f32 to vector<16xf32>
    %select_n3A_1150 = arith.select %eq3A_1147, %broadcast_in_dim3A_1149, %get3A_1038 : vector<16xi1>, vector<16xf32>
    %max3A_1151 = arith.maximumf %max3A_1144, %select_n3A_1150 : vector<16xf32>
    %eq3A_1152 = arith.constant 3 : i32
    %eq3A_1153 = vector.broadcast %eq3A_1152 : i32 to vector<16xi32>
    %eq3A_1154 = arith.cmpi eq, %min3A_1128, %eq3A_1153 : vector<16xi32>
    %jit3A_1155 = arith.constant 0xFF800000 : f32
    %broadcast_in_dim3A_1156 = vector.broadcast %jit3A_1155 : f32 to vector<16xf32>
    %select_n3A_1157 = arith.select %eq3A_1154, %broadcast_in_dim3A_1156, %get3A_1043 : vector<16xi1>, vector<16xf32>
    %max3A_1158 = arith.maximumf %max3A_1151, %select_n3A_1157 : vector<16xf32>
    %eq3A_1159 = arith.constant 4 : i32
    %eq3A_1160 = vector.broadcast %eq3A_1159 : i32 to vector<16xi32>
    %eq3A_1161 = arith.cmpi eq, %min3A_1128, %eq3A_1160 : vector<16xi32>
    %jit3A_1162 = arith.constant 0xFF800000 : f32
    %broadcast_in_dim3A_1163 = vector.broadcast %jit3A_1162 : f32 to vector<16xf32>
    %select_n3A_1164 = arith.select %eq3A_1161, %broadcast_in_dim3A_1163, %get3A_1048 : vector<16xi1>, vector<16xf32>
    %max3A_1165 = arith.maximumf %max3A_1158, %select_n3A_1164 : vector<16xf32>
    %eq3A_1166 = arith.constant 5 : i32
    %eq3A_1167 = vector.broadcast %eq3A_1166 : i32 to vector<16xi32>
    %eq3A_1168 = arith.cmpi eq, %min3A_1128, %eq3A_1167 : vector<16xi32>
    %jit3A_1169 = arith.constant 0xFF800000 : f32
    %broadcast_in_dim3A_1170 = vector.broadcast %jit3A_1169 : f32 to vector<16xf32>
    %select_n3A_1171 = arith.select %eq3A_1168, %broadcast_in_dim3A_1170, %get3A_1053 : vector<16xi1>, vector<16xf32>
    %max3A_1172 = arith.maximumf %max3A_1165, %select_n3A_1171 : vector<16xf32>
    %eq3A_1173 = arith.constant 6 : i32
    %eq3A_1174 = vector.broadcast %eq3A_1173 : i32 to vector<16xi32>
    %eq3A_1175 = arith.cmpi eq, %min3A_1128, %eq3A_1174 : vector<16xi32>
    %jit3A_1176 = arith.constant 0xFF800000 : f32
    %broadcast_in_dim3A_1177 = vector.broadcast %jit3A_1176 : f32 to vector<16xf32>
    %select_n3A_1178 = arith.select %eq3A_1175, %broadcast_in_dim3A_1177, %get3A_1058 : vector<16xi1>, vector<16xf32>
    %max3A_1179 = arith.maximumf %max3A_1172, %select_n3A_1178 : vector<16xf32>
    %eq3A_1180 = arith.constant 7 : i32
    %eq3A_1181 = vector.broadcast %eq3A_1180 : i32 to vector<16xi32>
    %eq3A_1182 = arith.cmpi eq, %min3A_1128, %eq3A_1181 : vector<16xi32>
    %jit3A_1183 = arith.constant 0xFF800000 : f32
    %broadcast_in_dim3A_1184 = vector.broadcast %jit3A_1183 : f32 to vector<16xf32>
    %select_n3A_1185 = arith.select %eq3A_1182, %broadcast_in_dim3A_1184, %get3A_1063 : vector<16xi1>, vector<16xf32>
    %max3A_1186 = arith.maximumf %max3A_1179, %select_n3A_1185 : vector<16xf32>
    %swap3A_1187 = arith.constant 96 : index
    %swap3A_1188 = tpu.vector_load %arg8[%swap3A_1187] {strides = array<i32>} : memref<128xf32, #tpu.memory_space<vmem>>, vector<16xf32>,
    %swap3A_1189 = vector.shape_cast %swap3A_1188 : vector<16xf32> to vector<16xf32>
    %swap3A_1190 = vector.shape_cast %max3A_1070 : vector<16xf32> to vector<16xf32>
    tpu.vector_store %arg8[%swap3A_1187], %swap3A_1190 {strides = array<i32>} : memref<128xf32, #tpu.memory_space<vmem>>, vector<16xf32>,
    %swap3A_1191 = arith.constant 96 : index
    %swap3A_1192 = tpu.vector_load %arg9[%swap3A_1191] {strides = array<i32>} : memref<128xf32, #tpu.memory_space<vmem>>, vector<16xf32>,
    %swap3A_1193 = vector.shape_cast %swap3A_1192 : vector<16xf32> to vector<16xf32>
    %swap3A_1194 = vector.shape_cast %max3A_1186 : vector<16xf32> to vector<16xf32>
    tpu.vector_store %arg9[%swap3A_1191], %swap3A_1194 {strides = array<i32>} : memref<128xf32, #tpu.memory_space<vmem>>, vector<16xf32>,
    %get3A_1195 = arith.constant 0 : i32
    %get3A_1196 = arith.index_cast %get3A_1195 : i32 to index
    %get3A_1197 = arith.constant 112 : index
    %get3A_1198 = tpu.vector_load %arg7[%get3A_1196, %get3A_1197] {strides = array<i32>} : memref<8x128xf32, #tpu.memory_space<vmem>>, vector<1x16xf32>,
    %get3A_1199 = vector.shape_cast %get3A_1198 : vector<1x16xf32> to vector<16xf32>
    %get3A_1200 = arith.constant 1 : i32
    %get3A_1201 = arith.index_cast %get3A_1200 : i32 to index
    %get3A_1202 = arith.constant 112 : index
    %get3A_1203 = tpu.vector_load %arg7[%get3A_1201, %get3A_1202] {strides = array<i32>} : memref<8x128xf32, #tpu.memory_space<vmem>>, vector<1x16xf32>,
    %get3A_1204 = vector.shape_cast %get3A_1203 : vector<1x16xf32> to vector<16xf32>
    %get3A_1205 = arith.constant 2 : i32
    %get3A_1206 = arith.index_cast %get3A_1205 : i32 to index
    %get3A_1207 = arith.constant 112 : index
    %get3A_1208 = tpu.vector_load %arg7[%get3A_1206, %get3A_1207] {strides = array<i32>} : memref<8x128xf32, #tpu.memory_space<vmem>>, vector<1x16xf32>,
    %get3A_1209 = vector.shape_cast %get3A_1208 : vector<1x16xf32> to vector<16xf32>
    %get3A_1210 = arith.constant 3 : i32
    %get3A_1211 = arith.index_cast %get3A_1210 : i32 to index
    %get3A_1212 = arith.constant 112 : index
    %get3A_1213 = tpu.vector_load %arg7[%get3A_1211, %get3A_1212] {strides = array<i32>} : memref<8x128xf32, #tpu.memory_space<vmem>>, vector<1x16xf32>,
    %get3A_1214 = vector.shape_cast %get3A_1213 : vector<1x16xf32> to vector<16xf32>
    %get3A_1215 = arith.constant 4 : i32
    %get3A_1216 = arith.index_cast %get3A_1215 : i32 to index
    %get3A_1217 = arith.constant 112 : index
    %get3A_1218 = tpu.vector_load %arg7[%get3A_1216, %get3A_1217] {strides = array<i32>} : memref<8x128xf32, #tpu.memory_space<vmem>>, vector<1x16xf32>,
    %get3A_1219 = vector.shape_cast %get3A_1218 : vector<1x16xf32> to vector<16xf32>
    %get3A_1220 = arith.constant 5 : i32
    %get3A_1221 = arith.index_cast %get3A_1220 : i32 to index
    %get3A_1222 = arith.constant 112 : index
    %get3A_1223 = tpu.vector_load %arg7[%get3A_1221, %get3A_1222] {strides = array<i32>} : memref<8x128xf32, #tpu.memory_space<vmem>>, vector<1x16xf32>,
    %get3A_1224 = vector.shape_cast %get3A_1223 : vector<1x16xf32> to vector<16xf32>
    %get3A_1225 = arith.constant 6 : i32
    %get3A_1226 = arith.index_cast %get3A_1225 : i32 to index
    %get3A_1227 = arith.constant 112 : index
    %get3A_1228 = tpu.vector_load %arg7[%get3A_1226, %get3A_1227] {strides = array<i32>} : memref<8x128xf32, #tpu.memory_space<vmem>>, vector<1x16xf32>,
    %get3A_1229 = vector.shape_cast %get3A_1228 : vector<1x16xf32> to vector<16xf32>
    %get3A_1230 = arith.constant 7 : i32
    %get3A_1231 = arith.index_cast %get3A_1230 : i32 to index
    %get3A_1232 = arith.constant 112 : index
    %get3A_1233 = tpu.vector_load %arg7[%get3A_1231, %get3A_1232] {strides = array<i32>} : memref<8x128xf32, #tpu.memory_space<vmem>>, vector<1x16xf32>,
    %get3A_1234 = vector.shape_cast %get3A_1233 : vector<1x16xf32> to vector<16xf32>
    %max3A_1235 = arith.maximumf %get3A_1199, %get3A_1204 : vector<16xf32>
    %max3A_1236 = arith.maximumf %max3A_1235, %get3A_1209 : vector<16xf32>
    %max3A_1237 = arith.maximumf %max3A_1236, %get3A_1214 : vector<16xf32>
    %max3A_1238 = arith.maximumf %max3A_1237, %get3A_1219 : vector<16xf32>
    %max3A_1239 = arith.maximumf %max3A_1238, %get3A_1224 : vector<16xf32>
    %max3A_1240 = arith.maximumf %max3A_1239, %get3A_1229 : vector<16xf32>
    %max3A_1241 = arith.maximumf %max3A_1240, %get3A_1234 : vector<16xf32>
    %broadcast_in_dim3A_1242 = arith.constant 8 : i32
    %broadcast_in_dim3A_1243 = vector.broadcast %broadcast_in_dim3A_1242 : i32 to vector<16xi32>
    %eq3A_1244 = arith.cmpf oeq, %get3A_1199, %max3A_1241 : vector<16xf32>
    %jit3A_1245 = arith.constant 0 : i32
    %jit3A_1246 = arith.constant 8 : i32
    %broadcast_in_dim3A_1247 = vector.broadcast %jit3A_1245 : i32 to vector<16xi32>
    %broadcast_in_dim3A_1248 = vector.broadcast %jit3A_1246 : i32 to vector<16xi32>
    %select_n3A_1249 = arith.select %eq3A_1244, %broadcast_in_dim3A_1247, %broadcast_in_dim3A_1248 : vector<16xi1>, vector<16xi32>
    %min3A_1250 = arith.minsi %broadcast_in_dim3A_1243, %select_n3A_1249 : vector<16xi32>
    %eq3A_1251 = arith.cmpf oeq, %get3A_1204, %max3A_1241 : vector<16xf32>
    %jit3A_1252 = arith.constant 1 : i32
    %jit3A_1253 = arith.constant 8 : i32
    %broadcast_in_dim3A_1254 = vector.broadcast %jit3A_1252 : i32 to vector<16xi32>
    %broadcast_in_dim3A_1255 = vector.broadcast %jit3A_1253 : i32 to vector<16xi32>
    %select_n3A_1256 = arith.select %eq3A_1251, %broadcast_in_dim3A_1254, %broadcast_in_dim3A_1255 : vector<16xi1>, vector<16xi32>
    %min3A_1257 = arith.minsi %min3A_1250, %select_n3A_1256 : vector<16xi32>
    %eq3A_1258 = arith.cmpf oeq, %get3A_1209, %max3A_1241 : vector<16xf32>
    %jit3A_1259 = arith.constant 2 : i32
    %jit3A_1260 = arith.constant 8 : i32
    %broadcast_in_dim3A_1261 = vector.broadcast %jit3A_1259 : i32 to vector<16xi32>
    %broadcast_in_dim3A_1262 = vector.broadcast %jit3A_1260 : i32 to vector<16xi32>
    %select_n3A_1263 = arith.select %eq3A_1258, %broadcast_in_dim3A_1261, %broadcast_in_dim3A_1262 : vector<16xi1>, vector<16xi32>
    %min3A_1264 = arith.minsi %min3A_1257, %select_n3A_1263 : vector<16xi32>
    %eq3A_1265 = arith.cmpf oeq, %get3A_1214, %max3A_1241 : vector<16xf32>
    %jit3A_1266 = arith.constant 3 : i32
    %jit3A_1267 = arith.constant 8 : i32
    %broadcast_in_dim3A_1268 = vector.broadcast %jit3A_1266 : i32 to vector<16xi32>
    %broadcast_in_dim3A_1269 = vector.broadcast %jit3A_1267 : i32 to vector<16xi32>
    %select_n3A_1270 = arith.select %eq3A_1265, %broadcast_in_dim3A_1268, %broadcast_in_dim3A_1269 : vector<16xi1>, vector<16xi32>
    %min3A_1271 = arith.minsi %min3A_1264, %select_n3A_1270 : vector<16xi32>
    %eq3A_1272 = arith.cmpf oeq, %get3A_1219, %max3A_1241 : vector<16xf32>
    %jit3A_1273 = arith.constant 4 : i32
    %jit3A_1274 = arith.constant 8 : i32
    %broadcast_in_dim3A_1275 = vector.broadcast %jit3A_1273 : i32 to vector<16xi32>
    %broadcast_in_dim3A_1276 = vector.broadcast %jit3A_1274 : i32 to vector<16xi32>
    %select_n3A_1277 = arith.select %eq3A_1272, %broadcast_in_dim3A_1275, %broadcast_in_dim3A_1276 : vector<16xi1>, vector<16xi32>
    %min3A_1278 = arith.minsi %min3A_1271, %select_n3A_1277 : vector<16xi32>
    %eq3A_1279 = arith.cmpf oeq, %get3A_1224, %max3A_1241 : vector<16xf32>
    %jit3A_1280 = arith.constant 5 : i32
    %jit3A_1281 = arith.constant 8 : i32
    %broadcast_in_dim3A_1282 = vector.broadcast %jit3A_1280 : i32 to vector<16xi32>
    %broadcast_in_dim3A_1283 = vector.broadcast %jit3A_1281 : i32 to vector<16xi32>
    %select_n3A_1284 = arith.select %eq3A_1279, %broadcast_in_dim3A_1282, %broadcast_in_dim3A_1283 : vector<16xi1>, vector<16xi32>
    %min3A_1285 = arith.minsi %min3A_1278, %select_n3A_1284 : vector<16xi32>
    %eq3A_1286 = arith.cmpf oeq, %get3A_1229, %max3A_1241 : vector<16xf32>
    %jit3A_1287 = arith.constant 6 : i32
    %jit3A_1288 = arith.constant 8 : i32
    %broadcast_in_dim3A_1289 = vector.broadcast %jit3A_1287 : i32 to vector<16xi32>
    %broadcast_in_dim3A_1290 = vector.broadcast %jit3A_1288 : i32 to vector<16xi32>
    %select_n3A_1291 = arith.select %eq3A_1286, %broadcast_in_dim3A_1289, %broadcast_in_dim3A_1290 : vector<16xi1>, vector<16xi32>
    %min3A_1292 = arith.minsi %min3A_1285, %select_n3A_1291 : vector<16xi32>
    %eq3A_1293 = arith.cmpf oeq, %get3A_1234, %max3A_1241 : vector<16xf32>
    %jit3A_1294 = arith.constant 7 : i32
    %jit3A_1295 = arith.constant 8 : i32
    %broadcast_in_dim3A_1296 = vector.broadcast %jit3A_1294 : i32 to vector<16xi32>
    %broadcast_in_dim3A_1297 = vector.broadcast %jit3A_1295 : i32 to vector<16xi32>
    %select_n3A_1298 = arith.select %eq3A_1293, %broadcast_in_dim3A_1296, %broadcast_in_dim3A_1297 : vector<16xi1>, vector<16xi32>
    %min3A_1299 = arith.minsi %min3A_1292, %select_n3A_1298 : vector<16xi32>
    %broadcast_in_dim3A_1300 = arith.constant 0xFF800000 : f32
    %broadcast_in_dim3A_1301 = vector.broadcast %broadcast_in_dim3A_1300 : f32 to vector<16xf32>
    %eq3A_1302 = arith.constant 0 : i32
    %eq3A_1303 = vector.broadcast %eq3A_1302 : i32 to vector<16xi32>
    %eq3A_1304 = arith.cmpi eq, %min3A_1299, %eq3A_1303 : vector<16xi32>
    %jit3A_1305 = arith.constant 0xFF800000 : f32
    %broadcast_in_dim3A_1306 = vector.broadcast %jit3A_1305 : f32 to vector<16xf32>
    %select_n3A_1307 = arith.select %eq3A_1304, %broadcast_in_dim3A_1306, %get3A_1199 : vector<16xi1>, vector<16xf32>
    %max3A_1308 = arith.maximumf %broadcast_in_dim3A_1301, %select_n3A_1307 : vector<16xf32>
    %eq3A_1309 = arith.constant 1 : i32
    %eq3A_1310 = vector.broadcast %eq3A_1309 : i32 to vector<16xi32>
    %eq3A_1311 = arith.cmpi eq, %min3A_1299, %eq3A_1310 : vector<16xi32>
    %jit3A_1312 = arith.constant 0xFF800000 : f32
    %broadcast_in_dim3A_1313 = vector.broadcast %jit3A_1312 : f32 to vector<16xf32>
    %select_n3A_1314 = arith.select %eq3A_1311, %broadcast_in_dim3A_1313, %get3A_1204 : vector<16xi1>, vector<16xf32>
    %max3A_1315 = arith.maximumf %max3A_1308, %select_n3A_1314 : vector<16xf32>
    %eq3A_1316 = arith.constant 2 : i32
    %eq3A_1317 = vector.broadcast %eq3A_1316 : i32 to vector<16xi32>
    %eq3A_1318 = arith.cmpi eq, %min3A_1299, %eq3A_1317 : vector<16xi32>
    %jit3A_1319 = arith.constant 0xFF800000 : f32
    %broadcast_in_dim3A_1320 = vector.broadcast %jit3A_1319 : f32 to vector<16xf32>
    %select_n3A_1321 = arith.select %eq3A_1318, %broadcast_in_dim3A_1320, %get3A_1209 : vector<16xi1>, vector<16xf32>
    %max3A_1322 = arith.maximumf %max3A_1315, %select_n3A_1321 : vector<16xf32>
    %eq3A_1323 = arith.constant 3 : i32
    %eq3A_1324 = vector.broadcast %eq3A_1323 : i32 to vector<16xi32>
    %eq3A_1325 = arith.cmpi eq, %min3A_1299, %eq3A_1324 : vector<16xi32>
    %jit3A_1326 = arith.constant 0xFF800000 : f32
    %broadcast_in_dim3A_1327 = vector.broadcast %jit3A_1326 : f32 to vector<16xf32>
    %select_n3A_1328 = arith.select %eq3A_1325, %broadcast_in_dim3A_1327, %get3A_1214 : vector<16xi1>, vector<16xf32>
    %max3A_1329 = arith.maximumf %max3A_1322, %select_n3A_1328 : vector<16xf32>
    %eq3A_1330 = arith.constant 4 : i32
    %eq3A_1331 = vector.broadcast %eq3A_1330 : i32 to vector<16xi32>
    %eq3A_1332 = arith.cmpi eq, %min3A_1299, %eq3A_1331 : vector<16xi32>
    %jit3A_1333 = arith.constant 0xFF800000 : f32
    %broadcast_in_dim3A_1334 = vector.broadcast %jit3A_1333 : f32 to vector<16xf32>
    %select_n3A_1335 = arith.select %eq3A_1332, %broadcast_in_dim3A_1334, %get3A_1219 : vector<16xi1>, vector<16xf32>
    %max3A_1336 = arith.maximumf %max3A_1329, %select_n3A_1335 : vector<16xf32>
    %eq3A_1337 = arith.constant 5 : i32
    %eq3A_1338 = vector.broadcast %eq3A_1337 : i32 to vector<16xi32>
    %eq3A_1339 = arith.cmpi eq, %min3A_1299, %eq3A_1338 : vector<16xi32>
    %jit3A_1340 = arith.constant 0xFF800000 : f32
    %broadcast_in_dim3A_1341 = vector.broadcast %jit3A_1340 : f32 to vector<16xf32>
    %select_n3A_1342 = arith.select %eq3A_1339, %broadcast_in_dim3A_1341, %get3A_1224 : vector<16xi1>, vector<16xf32>
    %max3A_1343 = arith.maximumf %max3A_1336, %select_n3A_1342 : vector<16xf32>
    %eq3A_1344 = arith.constant 6 : i32
    %eq3A_1345 = vector.broadcast %eq3A_1344 : i32 to vector<16xi32>
    %eq3A_1346 = arith.cmpi eq, %min3A_1299, %eq3A_1345 : vector<16xi32>
    %jit3A_1347 = arith.constant 0xFF800000 : f32
    %broadcast_in_dim3A_1348 = vector.broadcast %jit3A_1347 : f32 to vector<16xf32>
    %select_n3A_1349 = arith.select %eq3A_1346, %broadcast_in_dim3A_1348, %get3A_1229 : vector<16xi1>, vector<16xf32>
    %max3A_1350 = arith.maximumf %max3A_1343, %select_n3A_1349 : vector<16xf32>
    %eq3A_1351 = arith.constant 7 : i32
    %eq3A_1352 = vector.broadcast %eq3A_1351 : i32 to vector<16xi32>
    %eq3A_1353 = arith.cmpi eq, %min3A_1299, %eq3A_1352 : vector<16xi32>
    %jit3A_1354 = arith.constant 0xFF800000 : f32
    %broadcast_in_dim3A_1355 = vector.broadcast %jit3A_1354 : f32 to vector<16xf32>
    %select_n3A_1356 = arith.select %eq3A_1353, %broadcast_in_dim3A_1355, %get3A_1234 : vector<16xi1>, vector<16xf32>
    %max3A_1357 = arith.maximumf %max3A_1350, %select_n3A_1356 : vector<16xf32>
    %swap3A_1358 = arith.constant 112 : index
    %swap3A_1359 = tpu.vector_load %arg8[%swap3A_1358] {strides = array<i32>} : memref<128xf32, #tpu.memory_space<vmem>>, vector<16xf32>,
    %swap3A_1360 = vector.shape_cast %swap3A_1359 : vector<16xf32> to vector<16xf32>
    %swap3A_1361 = vector.shape_cast %max3A_1241 : vector<16xf32> to vector<16xf32>
    tpu.vector_store %arg8[%swap3A_1358], %swap3A_1361 {strides = array<i32>} : memref<128xf32, #tpu.memory_space<vmem>>, vector<16xf32>,
    %swap3A_1362 = arith.constant 112 : index
    %swap3A_1363 = tpu.vector_load %arg9[%swap3A_1362] {strides = array<i32>} : memref<128xf32, #tpu.memory_space<vmem>>, vector<16xf32>,
    %swap3A_1364 = vector.shape_cast %swap3A_1363 : vector<16xf32> to vector<16xf32>
    %swap3A_1365 = vector.shape_cast %max3A_1357 : vector<16xf32> to vector<16xf32>
    tpu.vector_store %arg9[%swap3A_1362], %swap3A_1365 {strides = array<i32>} : memref<128xf32, #tpu.memory_space<vmem>>, vector<16xf32>,
    "tpu.region"() ({
      %run_scoped3A = tpu.sem_alloc : memref<!tpu.dma_semaphore, #tpu.memory_space<semaphore_mem>>
      %dma_start3A = tpu.memref_slice %arg3[%mul3A_2] : memref<4096xf32, #tpu.memory_space<hbm>> -> memref<128xf32, #tpu.memory_space<hbm>>
      %dma_start3A_1366 = tpu.memref_slice %arg3[%mul3A_2] : memref<4096xf32, #tpu.memory_space<hbm>> -> memref<128xf32, #tpu.memory_space<hbm>>
      tpu.enqueue_dma source(%arg8 : memref<128xf32, #tpu.memory_space<vmem>>) target(%dma_start3A_1366 : memref<128xf32, #tpu.memory_space<hbm>>) target_semaphore(%run_scoped3A : memref<!tpu.dma_semaphore, #tpu.memory_space<semaphore_mem>>)
      %dma_wait3A = tpu.memref_slice %arg3[%mul3A_2] : memref<4096xf32, #tpu.memory_space<hbm>> -> memref<128xf32, #tpu.memory_space<hbm>>
      %dma_wait3A_1367 = tpu.memref_slice %arg3[%mul3A_2] : memref<4096xf32, #tpu.memory_space<hbm>> -> memref<128xf32, #tpu.memory_space<hbm>>
      tpu.wait_dma2 semaphore(%run_scoped3A : memref<!tpu.dma_semaphore, #tpu.memory_space<semaphore_mem>>) src(%arg8 : memref<128xf32, #tpu.memory_space<vmem>>) dst(%dma_wait3A_1367 : memref<128xf32, #tpu.memory_space<hbm>>)
      tpu.yield
    }) : () -> ()
    "tpu.region"() ({
      %run_scoped3A = tpu.sem_alloc : memref<!tpu.dma_semaphore, #tpu.memory_space<semaphore_mem>>
      %dma_start3A = tpu.memref_slice %arg4[%mul3A_2] : memref<4096xf32, #tpu.memory_space<hbm>> -> memref<128xf32, #tpu.memory_space<hbm>>
      %dma_start3A_1366 = tpu.memref_slice %arg4[%mul3A_2] : memref<4096xf32, #tpu.memory_space<hbm>> -> memref<128xf32, #tpu.memory_space<hbm>>
      tpu.enqueue_dma source(%arg9 : memref<128xf32, #tpu.memory_space<vmem>>) target(%dma_start3A_1366 : memref<128xf32, #tpu.memory_space<hbm>>) target_semaphore(%run_scoped3A : memref<!tpu.dma_semaphore, #tpu.memory_space<semaphore_mem>>)
      %dma_wait3A = tpu.memref_slice %arg4[%mul3A_2] : memref<4096xf32, #tpu.memory_space<hbm>> -> memref<128xf32, #tpu.memory_space<hbm>>
      %dma_wait3A_1367 = tpu.memref_slice %arg4[%mul3A_2] : memref<4096xf32, #tpu.memory_space<hbm>> -> memref<128xf32, #tpu.memory_space<hbm>>
      tpu.wait_dma2 semaphore(%run_scoped3A : memref<!tpu.dma_semaphore, #tpu.memory_space<semaphore_mem>>) src(%arg9 : memref<128xf32, #tpu.memory_space<vmem>>) dst(%dma_wait3A_1367 : memref<128xf32, #tpu.memory_space<hbm>>)
      tpu.yield
    }) : () -> ()
    return
  }
}

module attributes {stable_mosaic.version = 14 : i64} {
  func.func @_gating_body(%arg0: i32, %arg1: memref<1024x2048xf32, #tpu.memory_space<vmem>>, %arg2: memref<2048x8xf32, #tpu.memory_space<vmem>>, %arg3: memref<1x8xf32, #tpu.memory_space<vmem>>, %arg4: memref<8x1024xf32, #tpu.memory_space<vmem>>, %arg5: memref<1024x2048xbf16, #tpu.memory_space<vmem>>) attributes {dimension_semantics = [#tpu.dimension_semantics<arbitrary>], iteration_bounds = array<i64: 4>, scalar_prefetch = 0 : i64, scratch_operands = 0 : i64, tpu.core_type = #tpu.core_type<tc>, window_params = [{transform_indices = @transform_0, window_bounds = array<i64: 1024, 2048>}, {pipeline_mode = #tpu.pipeline_mode<synchronous>, transform_indices = @transform_1, window_bounds = array<i64: 2048, 8>}, {pipeline_mode = #tpu.pipeline_mode<synchronous>, transform_indices = @transform_2, window_bounds = array<i64: 1, 8>}, {transform_indices = @transform_3, window_bounds = array<i64: 8, 1024>}, {transform_indices = @transform_4, window_bounds = array<i64: 1024, 2048>}]} {
    %get3A = arith.constant 0 : index
    %get3A_0 = arith.constant 0 : index
    %get3A_1 = vector.load %arg1[%get3A, %get3A_0] : memref<1024x2048xf32, #tpu.memory_space<vmem>>, vector<1024x2048xf32>
    %get3A_2 = arith.constant 0 : index
    %get3A_3 = arith.constant 0 : index
    %get3A_4 = vector.load %arg2[%get3A_2, %get3A_3] : memref<2048x8xf32, #tpu.memory_space<vmem>>, vector<2048x8xf32>
    %dot_general3A = arith.constant dense<0.000000e+00> : vector<1024x8xf32>
    %dot_general3A_5 = tpu.matmul %get3A_1, %get3A_4, %dot_general3A {dimension_numbers = #tpu.dot_dimension_numbers<[1], [0], [0], [1], [0, 0, 1, 1], [], []>, transpose_lhs_hint = false} : vector<1024x2048xf32>, vector<2048x8xf32>, vector<1024x8xf32> -> vector<1024x8xf32>
    %get3A_6 = arith.constant 0 : index
    %get3A_7 = arith.constant 0 : index
    %get3A_8 = vector.load %arg3[%get3A_6, %get3A_7] : memref<1x8xf32, #tpu.memory_space<vmem>>, vector<1x8xf32>
    %add3A = vector.broadcast %get3A_8 : vector<1x8xf32> to vector<1024x8xf32>
    %add3A_9 = arith.addf %dot_general3A_5, %add3A : vector<1024x8xf32>
    %reduce_max3A = arith.constant dense<0xFF800000> : vector<1024xf32>
    %reduce_max3A_10 = vector.multi_reduction <maximumf>, %add3A_9, %reduce_max3A [1] : vector<1024x8xf32> to vector<1024xf32>
    %broadcast_in_dim3A = vector.shape_cast %reduce_max3A_10 : vector<1024xf32> to vector<1024x1xf32>
    %sub3A = vector.broadcast %broadcast_in_dim3A : vector<1024x1xf32> to vector<1024x8xf32>
    %sub3A_11 = arith.subf %add3A_9, %sub3A : vector<1024x8xf32>
    %exp3A = math.exp %sub3A_11 : vector<1024x8xf32>
    %reduce_sum3A = arith.constant dense<0.000000e+00> : vector<1024xf32>
    %reduce_sum3A_12 = vector.multi_reduction <add>, %exp3A, %reduce_sum3A [1] : vector<1024x8xf32> to vector<1024xf32>
    %broadcast_in_dim3A_13 = vector.shape_cast %reduce_sum3A_12 : vector<1024xf32> to vector<1024x1xf32>
    %div3A = vector.broadcast %broadcast_in_dim3A_13 : vector<1024x1xf32> to vector<1024x8xf32>
    %div3A_14 = arith.divf %exp3A, %div3A : vector<1024x8xf32>
    %transpose3A = tpu.transpose %div3A_14, [1, 0] : vector<1024x8xf32> -> vector<8x1024xf32>
    %swap3A = arith.constant 0 : index
    %swap3A_15 = arith.constant 0 : index
    %swap3A_16 = vector.load %arg4[%swap3A, %swap3A_15] : memref<8x1024xf32, #tpu.memory_space<vmem>>, vector<8x1024xf32>
    tpu.vector_store %arg4[%swap3A, %swap3A_15], %transpose3A {strides = array<i32>} : memref<8x1024xf32, #tpu.memory_space<vmem>>, vector<8x1024xf32>,
    %convert_element_type3A = arith.truncf %get3A_1 : vector<1024x2048xf32> to vector<1024x2048xbf16>
    %swap3A_17 = arith.constant 0 : index
    %swap3A_18 = arith.constant 0 : index
    %swap3A_19 = vector.load %arg5[%swap3A_17, %swap3A_18] : memref<1024x2048xbf16, #tpu.memory_space<vmem>>, vector<1024x2048xbf16>
    tpu.vector_store %arg5[%swap3A_17, %swap3A_18], %convert_element_type3A {strides = array<i32>} : memref<1024x2048xbf16, #tpu.memory_space<vmem>>, vector<1024x2048xbf16>,
    return
  }
  func.func @transform_0(%arg0: i32) -> (i32, i32) {
    %c0_i32 = arith.constant 0 : i32
    %c0_i32_0 = arith.constant 0 : i32
    return %arg0, %c0_i32 : i32, i32
  }
  func.func @transform_1(%arg0: i32) -> (i32, i32) {
    %c0_i32 = arith.constant 0 : i32
    %c0_i32_0 = arith.constant 0 : i32
    %c0_i32_1 = arith.constant 0 : i32
    return %c0_i32, %c0_i32_0 : i32, i32
  }
  func.func @transform_2(%arg0: i32) -> (i32, i32) {
    %c0_i32 = arith.constant 0 : i32
    %c0_i32_0 = arith.constant 0 : i32
    %c0_i32_1 = arith.constant 0 : i32
    return %c0_i32, %c0_i32_0 : i32, i32
  }
  func.func @transform_3(%arg0: i32) -> (i32, i32) {
    %c0_i32 = arith.constant 0 : i32
    %c0_i32_0 = arith.constant 0 : i32
    return %c0_i32, %arg0 : i32, i32
  }
  func.func @transform_4(%arg0: i32) -> (i32, i32) {
    %c0_i32 = arith.constant 0 : i32
    %c0_i32_0 = arith.constant 0 : i32
    return %arg0, %c0_i32 : i32, i32
  }
}

module attributes {stable_mosaic.version = 14 : i64} {
  func.func @_expert_body(%arg0: i32, %arg1: memref<16xi32, #tpu.memory_space<smem>>, %arg2: memref<16xi32, #tpu.memory_space<smem>>, %arg3: memref<4096x2048xbf16, #tpu.memory_space<vmem>>, %arg4: memref<1x2048x256xf32, #tpu.memory_space<vmem>>, %arg5: memref<1x2048x256xf32, #tpu.memory_space<vmem>>, %arg6: memref<1x1x256xf32, #tpu.memory_space<vmem>>, %arg7: memref<1x1x256xf32, #tpu.memory_space<vmem>>, %arg8: memref<4096xf32, #tpu.memory_space<vmem>>, %arg9: memref<4096xf32, #tpu.memory_space<vmem>>, %arg10: memref<4096x256xf32, #tpu.memory_space<vmem>>) attributes {dimension_semantics = [#tpu.dimension_semantics<arbitrary>], iteration_bounds = array<i64: 8>, scalar_prefetch = 2 : i64, scratch_operands = 0 : i64, tpu.core_type = #tpu.core_type<tc>, window_params = [{pipeline_mode = #tpu.pipeline_mode<synchronous>, transform_indices = @transform_0, window_bounds = array<i64: 4096, 2048>}, {transform_indices = @transform_1, window_bounds = array<i64: 1, 2048, 256>}, {transform_indices = @transform_2, window_bounds = array<i64: 1, 2048, 256>}, {transform_indices = @transform_3, window_bounds = array<i64: 1, 1, 256>}, {transform_indices = @transform_4, window_bounds = array<i64: 1, 1, 256>}, {pipeline_mode = #tpu.pipeline_mode<synchronous>, transform_indices = @transform_5, window_bounds = array<i64: 4096>}, {pipeline_mode = #tpu.pipeline_mode<synchronous>, transform_indices = @transform_6, window_bounds = array<i64: 4096>}, {transform_indices = @transform_7, window_bounds = array<i64: 4096, 256>}]} {
    %get3A = arith.constant 0 : index
    %get3A_0 = arith.constant 0 : index
    %get3A_1 = vector.load %arg3[%get3A, %get3A_0] : memref<4096x2048xbf16, #tpu.memory_space<vmem>>, vector<4096x2048xbf16>
    %get3A_2 = arith.constant 0 : index
    %get3A_3 = arith.constant 0 : index
    %get3A_4 = arith.constant 0 : index
    %get3A_5 = vector.load %arg4[%get3A_2, %get3A_3, %get3A_4] : memref<1x2048x256xf32, #tpu.memory_space<vmem>>, vector<1x2048x256xf32>
    %get3A_6 = vector.shape_cast %get3A_5 : vector<1x2048x256xf32> to vector<2048x256xf32>
    %convert_element_type3A = arith.truncf %get3A_6 : vector<2048x256xf32> to vector<2048x256xbf16>
    %dot_general3A = arith.constant dense<0.000000e+00> : vector<4096x256xf32>
    %dot_general3A_7 = tpu.matmul %get3A_1, %convert_element_type3A, %dot_general3A {dimension_numbers = #tpu.dot_dimension_numbers<[1], [0], [0], [1], [0, 0, 1, 1], [], []>, transpose_lhs_hint = false} : vector<4096x2048xbf16>, vector<2048x256xbf16>, vector<4096x256xf32> -> vector<4096x256xf32>
    %get3A_8 = arith.constant 0 : index
    %get3A_9 = arith.constant 0 : index
    %get3A_10 = arith.constant 0 : index
    %get3A_11 = vector.load %arg5[%get3A_8, %get3A_9, %get3A_10] : memref<1x2048x256xf32, #tpu.memory_space<vmem>>, vector<1x2048x256xf32>
    %get3A_12 = vector.shape_cast %get3A_11 : vector<1x2048x256xf32> to vector<2048x256xf32>
    %convert_element_type3A_13 = arith.truncf %get3A_12 : vector<2048x256xf32> to vector<2048x256xbf16>
    %dot_general3A_14 = arith.constant dense<0.000000e+00> : vector<4096x256xf32>
    %dot_general3A_15 = tpu.matmul %get3A_1, %convert_element_type3A_13, %dot_general3A_14 {dimension_numbers = #tpu.dot_dimension_numbers<[1], [0], [0], [1], [0, 0, 1, 1], [], []>, transpose_lhs_hint = false} : vector<4096x2048xbf16>, vector<2048x256xbf16>, vector<4096x256xf32> -> vector<4096x256xf32>
    %get3A_16 = arith.constant 0 : index
    %get3A_17 = vector.load %arg8[%get3A_16] : memref<4096xf32, #tpu.memory_space<vmem>>, vector<4096xf32>
    %broadcast_in_dim3A = vector.shape_cast %get3A_17 : vector<4096xf32> to vector<4096x1xf32>
    %get3A_18 = arith.constant 0 : index
    %get3A_19 = vector.load %arg9[%get3A_18] : memref<4096xf32, #tpu.memory_space<vmem>>, vector<4096xf32>
    %broadcast_in_dim3A_20 = vector.shape_cast %get3A_19 : vector<4096xf32> to vector<4096x1xf32>
    %get3A_21 = arith.constant 0 : index
    %get3A_22 = arith.constant 0 : index
    %get3A_23 = arith.constant 0 : index
    %get3A_24 = vector.load %arg6[%get3A_21, %get3A_22, %get3A_23] : memref<1x1x256xf32, #tpu.memory_space<vmem>>, vector<1x1x256xf32>
    %get3A_25 = vector.shape_cast %get3A_24 : vector<1x1x256xf32> to vector<1x256xf32>
    %add3A = vector.broadcast %get3A_25 : vector<1x256xf32> to vector<4096x256xf32>
    %add3A_26 = arith.addf %dot_general3A_7, %add3A : vector<4096x256xf32>
    %mul3A = vector.broadcast %broadcast_in_dim3A : vector<4096x1xf32> to vector<4096x256xf32>
    %mul3A_27 = arith.mulf %mul3A, %add3A_26 : vector<4096x256xf32>
    %get3A_28 = arith.constant 0 : index
    %get3A_29 = arith.constant 0 : index
    %get3A_30 = arith.constant 0 : index
    %get3A_31 = vector.load %arg7[%get3A_28, %get3A_29, %get3A_30] : memref<1x1x256xf32, #tpu.memory_space<vmem>>, vector<1x1x256xf32>
    %get3A_32 = vector.shape_cast %get3A_31 : vector<1x1x256xf32> to vector<1x256xf32>
    %add3A_33 = vector.broadcast %get3A_32 : vector<1x256xf32> to vector<4096x256xf32>
    %add3A_34 = arith.addf %dot_general3A_15, %add3A_33 : vector<4096x256xf32>
    %mul3A_35 = vector.broadcast %broadcast_in_dim3A_20 : vector<4096x1xf32> to vector<4096x256xf32>
    %mul3A_36 = arith.mulf %mul3A_35, %add3A_34 : vector<4096x256xf32>
    %add3A_37 = arith.addf %mul3A_27, %mul3A_36 : vector<4096x256xf32>
    %swap3A = arith.constant 0 : index
    %swap3A_38 = arith.constant 0 : index
    %swap3A_39 = vector.load %arg10[%swap3A, %swap3A_38] : memref<4096x256xf32, #tpu.memory_space<vmem>>, vector<4096x256xf32>
    tpu.vector_store %arg10[%swap3A, %swap3A_38], %add3A_37 {strides = array<i32>} : memref<4096x256xf32, #tpu.memory_space<vmem>>, vector<4096x256xf32>,
    return
  }
  func.func @transform_0(%arg0: i32, %arg1: memref<16xi32, #tpu.memory_space<smem>>, %arg2: memref<16xi32, #tpu.memory_space<smem>>) -> (i32, i32) {
    %c0_i32 = arith.constant 0 : i32
    %c0_i32_0 = arith.constant 0 : i32
    %c0_i32_1 = arith.constant 0 : i32
    return %c0_i32, %c0_i32_0 : i32, i32
  }
  func.func @transform_1(%arg0: i32, %arg1: memref<16xi32, #tpu.memory_space<smem>>, %arg2: memref<16xi32, #tpu.memory_space<smem>>) -> (i32, i32, i32) {
    %get3A = arith.constant 0 : index
    %get3A_0 = memref.load %arg1[%get3A] : memref<16xi32, #tpu.memory_space<smem>>
    %c0_i32 = arith.constant 0 : i32
    %c0_i32_1 = arith.constant 0 : i32
    return %get3A_0, %c0_i32, %arg0 : i32, i32, i32
  }
  func.func @transform_2(%arg0: i32, %arg1: memref<16xi32, #tpu.memory_space<smem>>, %arg2: memref<16xi32, #tpu.memory_space<smem>>) -> (i32, i32, i32) {
    %get3A = arith.constant 0 : index
    %get3A_0 = memref.load %arg2[%get3A] : memref<16xi32, #tpu.memory_space<smem>>
    %c0_i32 = arith.constant 0 : i32
    %c0_i32_1 = arith.constant 0 : i32
    return %get3A_0, %c0_i32, %arg0 : i32, i32, i32
  }
  func.func @transform_3(%arg0: i32, %arg1: memref<16xi32, #tpu.memory_space<smem>>, %arg2: memref<16xi32, #tpu.memory_space<smem>>) -> (i32, i32, i32) {
    %get3A = arith.constant 0 : index
    %get3A_0 = memref.load %arg1[%get3A] : memref<16xi32, #tpu.memory_space<smem>>
    %c0_i32 = arith.constant 0 : i32
    %c0_i32_1 = arith.constant 0 : i32
    return %get3A_0, %c0_i32, %arg0 : i32, i32, i32
  }
  func.func @transform_4(%arg0: i32, %arg1: memref<16xi32, #tpu.memory_space<smem>>, %arg2: memref<16xi32, #tpu.memory_space<smem>>) -> (i32, i32, i32) {
    %get3A = arith.constant 0 : index
    %get3A_0 = memref.load %arg2[%get3A] : memref<16xi32, #tpu.memory_space<smem>>
    %c0_i32 = arith.constant 0 : i32
    %c0_i32_1 = arith.constant 0 : i32
    return %get3A_0, %c0_i32, %arg0 : i32, i32, i32
  }
  func.func @transform_5(%arg0: i32, %arg1: memref<16xi32, #tpu.memory_space<smem>>, %arg2: memref<16xi32, #tpu.memory_space<smem>>) -> i32 {
    %c0_i32 = arith.constant 0 : i32
    %c0_i32_0 = arith.constant 0 : i32
    return %c0_i32 : i32
  }
  func.func @transform_6(%arg0: i32, %arg1: memref<16xi32, #tpu.memory_space<smem>>, %arg2: memref<16xi32, #tpu.memory_space<smem>>) -> i32 {
    %c0_i32 = arith.constant 0 : i32
    %c0_i32_0 = arith.constant 0 : i32
    return %c0_i32 : i32
  }
  func.func @transform_7(%arg0: i32, %arg1: memref<16xi32, #tpu.memory_space<smem>>, %arg2: memref<16xi32, #tpu.memory_space<smem>>) -> (i32, i32) {
    %c0_i32 = arith.constant 0 : i32
    %c0_i32_0 = arith.constant 0 : i32
    return %c0_i32, %arg0 : i32, i32
  }
}

</mosaic_0001>

<sc_bundles>
// kernel: kernel.5.cloned.1.call-start
scs
__scs_entry_jumppad:
0x0: {  	(pc) =	sbr.rel $0x88, $3  }
0x1: {  	(tag) =	ssettag $0x0;
	lr =	simm.s32 $0x1  }
0x2: {  	[smem:$0x3F9C] =	sst lr;
	_ =	strace $0xD0000000  }
0x3: {  	_ = 	snop  }
0x4: {  	_ = 	snop  }
0x5: {  	_ = 	snop  }
0x6: {  	_ = 	snop  }
0x7: {  	_ = 	snop  }
__scs_overlays_trampoline_lowered:
0x8: {  	[smem:$0x3FAB] =	sst s0  }
0x9: {  	[smem:$0x3FAC] =	sst s1  }
0xa: {  	[smem:$0x3FAD] =	sst s2  }
0xb: {  	[smem:$0x3FAE] =	sst s3  }
0xc: {  	[smem:$0x3FAF] =	sst s4  }
0xd: {  	[smem:$0x3FB0] =	sst s5  }
0xe: {  	[smem:$0x3FB1] =	sst s6  }
0xf: {  	[smem:$0x3FB2] =	sst s7  }
0x10: {  	[smem:$0x3FB3] =	sst s8  }
0x11: {  	[smem:$0x3FB4] =	sst s9;
	s0 =	simm.s32 @!p0 $0x0  }
0x12: {  	s1 =	sld [smem:$0x3F9A];
	s0 =	simm.s32 @p0 $0x1  }
0x13: {  	[smem:$0x3FB5] =	sst s0;
	s0 =	simm.s32 @!p1 $0x0  }
0x14: {  	s2 =	sld [smem:$0x3F99];
	s0 =	simm.s32 @p1 $0x1  }
0x15: {  	[smem:$0x3FB6] =	sst s0;
	s0 =	simm.s32 @!p2 $0x0  }
0x16: {  	s3 =	sld [smem:$0x3FDB];
	s0 =	simm.s32 @p2 $0x1  }
0x17: {  	s4 =	simm.s32 $0x1BF5;
	[smem:$0x3FB8] =	sst s0  }
0x18: {  	s0 =	sld [smem:$0x3F9B];
	_ =	swait.ge [sflag:s4], $0x0  }
0x19: {  	s7 =	sld [smem:$0x3F9C]  }
0x1a: {  	s8 =	sadd.s32 $0xFFFFE003, lr  }
0x1b: {  	s9 =	sadd.s32 $0xFFFFFEF7, lr;
	s5 =	simm.s32 $0xFFFFFFFF;
	p2 =	slt.u32 s8, $0xFFFFF086  }
0x1c: {  	p1 =	slt.u32 s9, $0xF7A;
	s5 =	simm.s32 @!p2 $0x0  }
0x1d: {  	s5 =	simm.s32 @p1 $0x1;
	p0 =	seq.s32 s7, s2  }
0x1e: {  	s7 =	smul.u32 @!p0 $0xF7A, s2;
	p2 =	seq.s32 @!p0 s5, $0x0  }
0x1f: {  	s9 =	smul.u32 $0xF7A, s1;
	s8 =	simm.s32 @!p0 $0x1BF5;
	p2 =	por !p2, p0  }
0x20: {  	[sflag:s8] =	ssyncset.s32 @!p0 $0xFFFFF086;
	s6 =	sadd.s32 @!p0 s3, s7;
	s7 =	simm.s32 @!p0 $0x108  }
0x21: {  	s3 =	sadd.s32 s3, s9;
	s6 =	sadd.s32 @!p0 $0x88, s6;
	s7 =	simm.s32 @p2 $0x1082  }
0x22: {  	[simem:s7], [sflag:s8] =	dma.local @!p0 [hbm:s6], $0xF7A  }
0x23: {  	s9 =	sor.u32 $0xD0000000, s2;
	s6 =	simm.s32 $0x108;
	_ =	swait.ge @!p0 [sflag:s8], $0x0  }
0x24: {  	s3 =	sadd.s32 $0x88, s3;
	s6 =	simm.s32 @!p1 $0x1082;
	[sflag:s4] =	ssyncset.s32 $0xFFFFF086  }
0x25: {  	[simem:s6], [sflag:s4] =	dma.local [hbm:s3], $0xF7A  }
0x26: {  	[smem:$0x3F9C] =	sst s1;
	(tag) =	ssettag s2;
	_ =	strace s9  }
0x27: {  	s1 =	sld [smem:$0x3FAC]  }
0x28: {  	s2 =	sld [smem:$0x3FAD]  }
0x29: {  	s4 =	sld [smem:$0x3FAF]  }
0x2a: {  	p0 =	seq.s32 s5, $0x0;
	s5 =	sld [smem:$0x3FB0]  }
0x2b: {  	s6 =	sld [smem:$0x3FB1]  }
0x2c: {  	s7 =	sld [smem:$0x3FB2]  }
0x2d: {  	s3 =	simm.s32 $0x108;
	s8 =	sld [smem:$0x3FB3]  }
0x2e: {  	s3 =	simm.s32 @!p0 $0x1082;
	s9 =	sld [smem:$0x3FB4]  }
0x2f: {  	lr =	sadd.s32 s0, s3;
	s0 =	sld [smem:$0x3FAB]  }
0x30: {  	s3 =	sld [smem:$0x3FAE]  }
0x31: {  	[smem:$0x3FB7] =	sst s10  }
0x32: {  	s10 =	sld [smem:$0x3FB5];
	_ =	sdelay $0x3  }
0x33: {  	p0 =	seq.s32 s10, $0x1;
	s10 =	sld [smem:$0x3FB7];
	_ =	sdelay $0x3  }
0x34: {  	[smem:$0x3FB7] =	sst s10  }
0x35: {  	s10 =	sld [smem:$0x3FB6];
	_ =	sdelay $0x3  }
0x36: {  	p1 =	seq.s32 s10, $0x1;
	s10 =	sld [smem:$0x3FB7];
	_ =	sdelay $0x3  }
0x37: {  	[smem:$0x3FB7] =	sst s10  }
0x38: {  	s10 =	sld [smem:$0x3FB8]  }
0x39: {  	_ = 	snop;
	(pc) =	sbr.ind lr, $3  }
0x3a: {  	_ = 	snop  }
0x3b: {  	_ = 	snop  }
0x3c: {  	p2 =	seq.s32 s10, $0x1;
	s10 =	sld [smem:$0x3FB7]  }
0x3d: {  	_ =	shalt  }
0x3e: {  	_ =	shalt  }
0x3f: {  	_ =	shalt  }
0x40: {  	_ =	shalt  }
0x41: {  	_ =	shalt  }
0x42: {  	_ =	shalt  }
0x43: {  	_ =	shalt  }
0x44: {  	_ =	shalt  }
0x45: {  	_ =	shalt  }
0x46: {  	_ =	shalt  }
0x47: {  	_ =	shalt  }
0x48: {  	_ =	shalt  }
0x49: {  	_ =	shalt  }
0x4a: {  	_ =	shalt  }
0x4b: {  	_ =	shalt  }
0x4c: {  	_ =	shalt  }
0x4d: {  	_ =	shalt  }
0x4e: {  	_ =	shalt  }
0x4f: {  	_ =	shalt  }
0x50: {  	_ =	shalt  }
0x51: {  	_ =	shalt  }
0x52: {  	_ =	shalt  }
0x53: {  	_ =	shalt  }
0x54: {  	_ =	shalt  }
0x55: {  	_ =	shalt  }
0x56: {  	_ =	shalt  }
0x57: {  	_ =	shalt  }
0x58: {  	_ =	shalt  }
0x59: {  	_ =	shalt  }
0x5a: {  	_ =	shalt  }
0x5b: {  	_ =	shalt  }
0x5c: {  	_ =	shalt  }
0x5d: {  	_ =	shalt  }
0x5e: {  	_ =	shalt  }
0x5f: {  	_ =	shalt  }
0x60: {  	_ =	shalt  }
0x61: {  	_ =	shalt  }
0x62: {  	_ =	shalt  }
0x63: {  	_ =	shalt  }
0x64: {  	_ =	shalt  }
0x65: {  	_ =	shalt  }
0x66: {  	_ =	shalt  }
0x67: {  	_ =	shalt  }
0x68: {  	_ =	shalt  }
0x69: {  	_ =	shalt  }
0x6a: {  	_ =	shalt  }
0x6b: {  	_ =	shalt  }
0x6c: {  	_ =	shalt  }
0x6d: {  	_ =	shalt  }
0x6e: {  	_ =	shalt  }
0x6f: {  	_ =	shalt  }
0x70: {  	_ =	shalt  }
0x71: {  	_ =	shalt  }
0x72: {  	_ =	shalt  }
0x73: {  	_ =	shalt  }
0x74: {  	_ =	shalt  }
0x75: {  	_ =	shalt  }
0x76: {  	_ =	shalt  }
0x77: {  	_ =	shalt  }
0x78: {  	_ =	shalt  }
0x79: {  	_ =	shalt  }
0x7a: {  	_ =	shalt  }
0x7b: {  	_ =	shalt  }
0x7c: {  	_ =	shalt  }
0x7d: {  	_ =	shalt  }
0x7e: {  	_ =	shalt  }
0x7f: {  	_ =	shalt  }
0x80: {  	_ =	shalt  }
0x81: {  	_ =	shalt  }
0x82: {  	_ =	shalt  }
0x83: {  	_ =	shalt  }
0x84: {  	_ =	shalt  }
0x85: {  	_ =	shalt  }
0x86: {  	_ =	shalt  }
0x87: {  	_ =	shalt  }
.Lfunc_end0:
.L_simem_size_0:
called_computation_lowered:
.L_overlay_start_0:
0x88: {  	s2 =	sld [smem:$0x3FD9]  }
0x89: {  	s3 =	sld [smem:$0x3FFE];
	_ =	sdelay $0x1  }
0x8a: {  	s1 =	srdreg.scid  }
0x8b: {  	s0 =	sand.u32 $0x1, s1  }
0x8c: {  	s16 =	sshll.u32 s0, $0xA;
	s2 =	sadd.s32 s3, s2  }
0x8d: {  	s2 =	sadd.s32 s2, s16  }
0x8e: {  	[smem:$0x3FC3] =	sst s2  }
0x8f: {  	_ = 	snop  }
0x90: {  	(tm) =	ssettm $0x1  }
0x91: {  	s17 =	sld [smem:$0x3FFB];
	_ =	sdelay $0x3  }
0x92: {  	_ =	strace s17  }
0x93: {  	s2 =	sld [smem:$0x3FFC];
	_ =	sdelay $0x3  }
0x94: {  	_ =	strace s2  }
0x95: {  	s2 =	sld [smem:$0x3FFD];
	_ =	sdelay $0x3  }
0x96: {  	_ =	strace s2  }
0x97: {  	_ =	strace $0x8FFFFFFF  }
0x98: {  	s18 =	sld [smem:$0x3FDB];
	_ =	sdelay $0x1  }
0x99: {  	s19 =	simm.s32 $_scs_section_size  }
0x9a: {  	s4 =	simm.s32 $_size__tile_overlayer_lowered;
	s5 =	simm.s32 $_tile_overlayer_lowered  }
0x9b: {  	s22 =	simm.s32 $0x1BFF;
	s21 =	sshll.u32 s5, $0x1;
	s2 =	sadd.s32 s19, s18  }
0x9c: {  	s6 =	simm.s32 $0x0;
	s20 =	sshll.u32 s4, $0x1;
	s4 =	sadd.s32 s21, s2  }
0x9d: {  	[timem:s6], [sflag:s22] =	dma.local [hbm:s4], s20  }
0x9e: {  	_ =	swait.ge [sflag:s22], s20  }
0x9f: {  	s3 =	ssub.s32 $0x0, s20;
	[sflag:s22] =	ssyncset.done $0x0  }
0xa0: {  	[sflag:s22] =	ssyncadd.s32 s3;
	_ =	sdelay $0x1  }
0xa1: {  	s23 =	simm.s32 $0x1B8B  }
0xa2: {  	_ =	swait.ge [sflag:s23], $0x1  }
0xa3: {  	[sflag:s23] =	ssyncset.done $0x0  }
0xa4: {  	s25 =	simm.s32 $0x1B8E;
	s24 =	sld [smem:$0x3FFE];
	[sflag:s23] =	ssyncadd.s32 $0xFFFFFFFF  }
0xa5: {  	s26 =	simm.s32 $execute0_lowered;
	[smem:$0x3FD2] =	sst s25  }
0xa6: {  	s4 =	sshll.u32 s26, $0x1;
	_ =	strace $0x80000046;
	[dreg:$0x1] =	wrdreg $0xFFFFFFFF  }
0xa7: {  	s28 =	simm.s32 $_size_execute0_lowered;
	s2 =	sadd.s32 s2, s4;
	[dreg:$0x0] =	wrdreg $0x0  }
0xa8: {  	s4 =	sshll.u32 s28, $0x1;
	[dreg:$0x2] =	wrdreg s2  }
0xa9: {  	[dreg:$0x3] =	wrdreg s4  }
0xaa: {  	[dreg:$0x4] =	wrdreg $0xC0  }
0xab: {  	_ =	task [dreg:s6], $0x5FFFF  }
0xac: {  	[dreg:$0x1] =	wrdreg $0xFFFFFFFF  }
0xad: {  	[dreg:$0x0] =	wrdreg $0x60  }
0xae: {  	[dreg:$0x2] =	wrdreg s24  }
0xaf: {  	[dreg:$0x3] =	wrdreg $0x9  }
0xb0: {  	_ =	task.clear_ibuf [dreg:s6], $0x4FFFF;
	_ =	strace $0x90000046  }
0xb1: {  	s29 =	simm.s32 $0x9;
	_ =	strace $0x80000048  }
0xb2: {  	_ =	swait.ge [sflag:s29], $0x1  }
0xb3: {  	[sflag:s29] =	ssyncadd.s32 $0xFFFFFFFF  }
0xb4: {  	_ =	strace $0x90000048  }
0xb5: {  	_ =	sfence  }
0xb6: {  	s30 =	sld [smem:$0x0];
	_ =	sdelay $0x2  }
0xb7: {  	s31 =	sshll.u32 s1, $0xD;
	s1 =	sshrl.u32 s1, $0x2  }
0xb8: {  	s3 =	sand.u32 $0x4000, s31;
	s1 =	sadd.s32 s1, s30  }
0xb9: {  	s0 =	sor.u32 s3, s0;
	s1 =	sshll.u32 s1, $0x11  }
0xba: {  	s0 =	sor.u32 s1, s0  }
0xbb: {  	s0 =	sadd.s32 $0x8F2B, s0  }
0xbc: {  	[sflag:s0] =	ssyncadd.remote.s32 $0x1  }
0xbd: {  	_ =	sfence.sel $0xFFFF  }
0xbe: {  	[dreg:$0x0] =	wrdreg $0xFFFFFFFF;
	(pc) =	sbr.abs _section_cstart, $3  }
0xbf: {  	[dreg:$0x1] =	wrdreg $0xFFFFFFFF  }
0xc0: {  	_ =	task.clear_ibuf [dreg:s6], $0x2FFFF;
	_ =	strace $0x9FFFFFFF  }
0xc1: {  	(tm) =	ssettm $0x7FFFFFFF  }
tec
execute0_lowered:
.L_overlay_start_1:
0x0: {  	(tag) =	ssettag $0x1  }
0x1: {  	s4 =	rddreg [dreg:$0x0]  }
0x2: {  	s0 =	rddreg [dreg:$0x1];
	s3 =	srdreg.scid  }
0x3: {  	s1 =	stileid.u32;
	s2 =	simm.s32 $0x0;
	s10 =	simm.s32 $0x400  }
0x4: {  	s3 =	sand.u32 $0x1, s3;
	s5 =	sshll.u32 s1, $0x1;
	[smem:$0x7FF] =	sst s2  }
0x5: {  	s11 =	simm.s32 $0x480;
	s9 =	sor.u32 s3, s5;
	_ =	strace $0x80000047  }
0x6: {  	s31 =	ssub.s32 $0x2, s3;
	s3 =	sadd.s32 $0x3000, s4;
	s5 =	sshll.u32 s9, $0x7  }
0x7: {  	s6 =	sshll.u32 s9, $0x4;
	s8 =	sshrl.u32 s31, $0x1;
	p0 =	sne.s32 s9, $0x0  }
0x8: {  	s9 =	simm.s32 $0x1;
	s5 =	sadd.s32 s5, s4;
	s7 =	sadd.s32 s6, s4  }
0x9: {  	s4 =	sadd.s32 $0x3200, s4;
	s8 =	ssub.s32 s31, s8;
	s5 =	sadd.s32 $0x1C00, s5  }
0xa: {  	v0 =	vimm.s32 $0x8;
	s6 =	sadd.s32 $0x2C00, s7;
	s7 =	sadd.s32 $0x2E00, s7;
	s8 =	smax.u32 s8, $0x1  }
.LBB2_1:
0xb: {  	[tilespmem:s2], [sflag:$0x1] =	stream.linear.gather [hbm4b:s5+s2], $0x400, $0x38;
	[tilespmem:$0x600] =	vst v63  }
0xc: {  	_ =	swait.ge [sflag:s9], $0x400  }
0xd: {  	[sflag:s9] =	ssyncset.done $0x0  }
0xe: {  	[sflag:s9] =	ssyncadd.s32 $0xFFFFFC00  }
0xf: {  	v1 =	vld [tilespmem:$0x0]  }
0x10: {  	v2 =	vld [tilespmem:$0x80]  }
0x11: {  	v3 =	vld [tilespmem:$0x100]  }
0x12: {  	v4 =	vld [tilespmem:$0x180]  }
0x13: {  	v5 =	vld [tilespmem:$0x200]  }
0x14: {  	v6 =	vld [tilespmem:$0x280]  }
0x15: {  	v7 =	vld [tilespmem:$0x300];
	v8 =	vmax.f32 v1, v2  }
0x16: {  	v9 =	vld [tilespmem:$0x380];
	v10 =	vmax.f32 v8, v3  }
0x17: {  	v10 =	vmax.f32 v10, v4  }
0x18: {  	v10 =	vmax.f32 v10, v5  }
0x19: {  	v10 =	vmax.f32 v10, v6  }
0x1a: {  	v10 =	vmax.f32 v10, v7  }
0x1b: {  	v10 =	vmax.f32 v10, v9  }
0x1c: {  	vm0 =	veq.f32 v9, v10  }
0x1d: {  	vm1 =	veq.f32 v7, v10;
	v11 =	vsel vm0, $0x7, v0  }
0x1e: {  	vm9 =	veq.f32 v6, v10;
	v11 =	vsel vm1, $0x6, v11  }
0x1f: {  	vm10 =	veq.f32 v5, v10;
	v11 =	vsel vm9, $0x5, v11  }
0x20: {  	vm11 =	vne.f32 v1, v10;
	vm2 =	veq.f32 v4, v10;
	v11 =	vsel vm10, $0x4, v11  }
0x21: {  	vm12 =	veq.f32 v2, v10;
	vm3 =	veq.f32 v3, v10;
	v11 =	vsel vm2, $0x3, v11  }
0x22: {  	vm13 =	vmand vm11, vm12;
	v11 =	vsel vm3, $0x2, v11  }
0x23: {  	v8 =	vsel vm13, v1, v8;
	v11 =	vsel vm12, $0x1, v11  }
0x24: {  	v8 =	vsel vm11, v8, v2;
	v11 =	vnsel vm11, $0x0, v11  }
0x25: {  	v12 =	vmax.f32 v8, v3;
	vm14 =	veq.s32 v11, $0x2  }
0x26: {  	v8 =	vsel vm14, v8, v12  }
0x27: {  	vm15 =	veq.s32 v11, $0x3;
	v8 =	vmax.f32 v8, v4  }
0x28: {  	v12 =	vsel vm15, v12, v8  }
0x29: {  	vm4 =	veq.s32 v11, $0x4;
	v12 =	vmax.f32 v12, v5  }
0x2a: {  	v8 =	vsel vm4, v8, v12  }
0x2b: {  	vm5 =	veq.s32 v11, $0x5;
	v8 =	vmax.f32 v8, v6  }
0x2c: {  	v12 =	vsel vm5, v12, v8  }
0x2d: {  	vm6 =	veq.s32 v11, $0x6;
	v12 =	vmax.f32 v12, v7  }
0x2e: {  	v8 =	vsel vm6, v8, v12  }
0x2f: {  	vm7 =	veq.s32 v11, $0x7;
	v8 =	vmax.f32 v8, v9  }
0x30: {  	v8 =	vsel vm7, v12, v8  }
0x31: {  	vm0 =	vne.f32 @!p0 v1, v10;
	vm8 =	vne.s32 @!p0 v11, $0x7;
	vm1 =	veq.f32 @!p0 v2, v8  }
0x32: {  	vm2 =	veq.f32 @!p0 v3, v8;
	vm3 =	veq.f32 @!p0 v4, v8;
	vm4 =	veq.f32 @!p0 v5, v8  }
0x33: {  	vm5 =	veq.f32 @!p0 v6, v8;
	vm6 =	veq.f32 @!p0 v7, v8;
	vm7 =	veq.f32 @!p0 v9, v8  }
0x34: {  	v2 =	vimm.s32 @!p0 $0x8;
	vm7 =	vmand @!p0 vm8, vm7;
	vm8 =	vne.s32 @!p0 v11, $0x6  }
0x35: {  	vm6 =	vmand @!p0 vm8, vm6;
	vm8 =	vne.s32 @!p0 v11, $0x5;
	v2 =	vsel @!p0 vm7, $0x7, v2  }
0x36: {  	vm7 =	vne.s32 @!p0 v11, $0x4;
	vm5 =	vmand @!p0 vm8, vm5;
	v2 =	vsel @!p0 vm6, $0x6, v2  }
0x37: {  	vm6 =	vne.s32 @!p0 v11, $0x3;
	vm4 =	vmand @!p0 vm7, vm4;
	v2 =	vsel @!p0 vm5, $0x5, v2  }
0x38: {  	vm5 =	vne.s32 @!p0 v11, $0x2;
	vm3 =	vmand @!p0 vm6, vm3;
	v2 =	vsel @!p0 vm4, $0x4, v2  }
0x39: {  	vm4 =	vne.s32 @!p0 v11, $0x1;
	vm2 =	vmand @!p0 vm5, vm2;
	v2 =	vsel @!p0 vm3, $0x3, v2  }
0x3a: {  	[tilespmem:$0x400] =	vst v10;
	vm3 =	veq.f32 @!p0 v1, v8;
	vm1 =	vmand @!p0 vm4, vm1;
	v1 =	vsel @!p0 vm2, $0x2, v2  }
0x3b: {  	[tilespmem:$0x500] =	vst @!p0 v11;
	vm0 =	vmand @!p0 vm0, vm3;
	v1 =	vsel @!p0 vm1, $0x1, v1  }
0x3c: {  	[tilespmem:$0x480] =	vst v8;
	v1 =	vsel @!p0 vm0, $0x0, v1  }
0x3d: {  	s12 =	simm.s32 @!p0 $0x0;
	s13 =	simm.s32 @!p0 $0x500;
	[tilespmem:$0x580] =	vst @!p0 v1  }
0x3e: {  	[hbm4b:s3+s12] =	stream.linear.scatter @!p0 [tilespmem:s13], [sflag:$0x1], $0x80, $0x38;
	[tilespmem:$0x600] =	vst v63  }
0x3f: {  	s13 =	simm.s32 @!p0 $0x1  }
0x40: {  	_ =	swait.ge @!p0 [sflag:s13], $0x80  }
0x41: {  	[sflag:s13] =	ssyncset.done @!p0 $0x0  }
0x42: {  	s14 =	simm.s32 @!p0 $0x580;
	[sflag:s13] =	ssyncadd.s32 @!p0 $0xFFFFFF80  }
0x43: {  	[hbm4b:s4+s12] =	stream.linear.scatter @!p0 [tilespmem:s14], [sflag:$0x1], $0x80, $0x38;
	[tilespmem:$0x600] =	vst v63  }
0x44: {  	_ =	swait.ge @!p0 [sflag:s13], $0x80  }
0x45: {  	[sflag:s13] =	ssyncset.done @!p0 $0x0  }
0x46: {  	[sflag:s13] =	ssyncadd.s32 @!p0 $0xFFFFFF80  }
0x47: {  	v2 =	vld [tilespmem:$0x10]  }
0x48: {  	v3 =	vld [tilespmem:$0x90]  }
0x49: {  	v49 =	vld [tilespmem:$0x110]  }
0x4a: {  	v50 =	vld [tilespmem:$0x190]  }
0x4b: {  	v51 =	vld [tilespmem:$0x210]  }
0x4c: {  	v52 =	vld [tilespmem:$0x290]  }
0x4d: {  	v53 =	vld [tilespmem:$0x310]  }
0x4e: {  	v55 =	vld [tilespmem:$0x390]  }
0x4f: {  	v57 =	vld [tilespmem:$0x20];
	v54 =	vmax.f32 v2, v3  }
0x50: {  	v13 =	vld [tilespmem:$0xA0];
	v1 =	vmax.f32 v54, v49  }
0x51: {  	v14 =	vld [tilespmem:$0x120];
	v1 =	vmax.f32 v1, v50  }
0x52: {  	v58 =	vld [tilespmem:$0x1A0];
	v1 =	vmax.f32 v1, v51  }
0x53: {  	v15 =	vld [tilespmem:$0x220];
	v1 =	vmax.f32 v1, v52  }
0x54: {  	v59 =	vld [tilespmem:$0x2A0];
	v1 =	vmax.f32 v1, v53  }
0x55: {  	v16 =	vld [tilespmem:$0x320];
	v1 =	vmax.f32 v1, v55  }
0x56: {  	v60 =	vld [tilespmem:$0x3A0];
	vm8 =	veq.f32 v55, v1  }
0x57: {  	v62 =	vld [tilespmem:$0x30];
	vm9 =	veq.f32 v53, v1;
	v56 =	vsel vm8, $0x7, v0  }
0x58: {  	v63 =	vld [tilespmem:$0xB0];
	vm10 =	veq.f32 v52, v1;
	v11 =	vsel vm9, $0x6, v56  }
0x59: {  	v34 =	vld [tilespmem:$0x40];
	vm11 =	veq.f32 v51, v1;
	v11 =	vsel vm10, $0x5, v11  }
0x5a: {  	v36 =	vld [tilespmem:$0xC0];
	vm12 =	vne.f32 v2, v1;
	vm13 =	veq.f32 v50, v1;
	v11 =	vsel vm11, $0x4, v11  }
0x5b: {  	v19 =	vld [tilespmem:$0x130];
	vm14 =	veq.f32 v3, v1;
	vm15 =	veq.f32 v49, v1;
	v11 =	vsel vm13, $0x3, v11  }
0x5c: {  	v37 =	vld [tilespmem:$0x140];
	vm5 =	vmand vm12, vm14;
	v11 =	vsel vm15, $0x2, v11  }
0x5d: {  	v28 =	vld [tilespmem:$0x1B0];
	v17 =	vmax.f32 v57, v13;
	v2 =	vsel vm5, v2, v54;
	v11 =	vsel vm14, $0x1, v11  }
0x5e: {  	v20 =	vld [tilespmem:$0x230];
	v23 =	vmax.f32 v62, v63;
	v2 =	vsel vm12, v2, v3;
	v11 =	vnsel vm12, $0x0, v11  }
0x5f: {  	v39 =	vld [tilespmem:$0x1C0];
	v45 =	vmax.f32 v34, v36;
	v3 =	vmax.f32 v2, v49;
	vm6 =	veq.s32 v11, $0x2  }
0x60: {  	v18 =	vmax.f32 v17, v14;
	v25 =	vmax.f32 v23, v19;
	v54 =	vld [tilespmem:$0x50];
	v2 =	vsel vm6, v2, v3  }
0x61: {  	v48 =	vmax.f32 v45, v37;
	v56 =	vld [tilespmem:$0xD0];
	vm7 =	veq.s32 v11, $0x3;
	v2 =	vmax.f32 v2, v50  }
0x62: {  	v18 =	vmax.f32 v18, v58;
	v29 =	vmax.f32 v25, v28;
	v3 =	vsel vm7, v3, v2  }
0x63: {  	v61 =	vmax.f32 v18, v15;
	vm8 =	veq.s32 v11, $0x4;
	v3 =	vmax.f32 v3, v51  }
0x64: {  	v30 =	vmax.f32 v29, v20;
	v6 =	vmax.f32 v61, v59;
	v2 =	vsel vm8, v2, v3  }
0x65: {  	v41 =	vld [tilespmem:$0x240];
	v49 =	vmax.f32 v48, v39;
	v7 =	vmax.f32 v2, v52;
	v2 =	vmax.f32 v6, v16  }
0x66: {  	v26 =	vmax.f32 v54, v56;
	vm9 =	veq.s32 v11, $0x5;
	v2 =	vmax.f32 v2, v60  }
0x67: {  	vm10 =	veq.s32 v11, $0x6;
	v3 =	vsel vm9, v3, v7;
	vm11 =	veq.f32 v60, v2  }
0x68: {  	v8 =	vmax.f32 v3, v53;
	vm12 =	veq.f32 v16, v2;
	v27 =	vsel vm11, $0x7, v0  }
0x69: {  	v21 =	vld [tilespmem:$0x2B0];
	vm13 =	veq.f32 v59, v2;
	v3 =	vsel vm10, v7, v8;
	v7 =	vsel vm12, $0x6, v27  }
0x6a: {  	v48 =	vld [tilespmem:$0x70];
	v50 =	vmax.f32 v49, v41;
	vm15 =	veq.f32 v15, v2;
	v7 =	vsel vm13, $0x5, v7  }
0x6b: {  	v49 =	vld [tilespmem:$0xF0];
	vm14 =	vne.f32 v57, v2;
	vm9 =	veq.f32 v58, v2;
	v7 =	vsel vm15, $0x4, v7  }
0x6c: {  	v22 =	vld [tilespmem:$0x330];
	vm8 =	veq.f32 v13, v2;
	vm10 =	veq.f32 v14, v2;
	v7 =	vsel vm9, $0x3, v7  }
0x6d: {  	v24 =	vld [tilespmem:$0x3B0];
	vm0 =	veq.s32 v11, $0x7;
	vm11 =	vmand vm14, vm8;
	v7 =	vsel vm10, $0x2, v7  }
0x6e: {  	v12 =	vsel vm11, v57, v17;
	v10 =	vmax.f32 v3, v55;
	v7 =	vsel vm8, $0x1, v7  }
0x6f: {  	v12 =	vsel vm14, v12, v13;
	v13 =	vmax.f32 v30, v21;
	v7 =	vnsel vm14, $0x0, v7  }
0x70: {  	v30 =	vmax.f32 v48, v49;
	v14 =	vmax.f32 v12, v14;
	vm12 =	veq.s32 v7, $0x2  }
0x71: {  	v31 =	vmax.f32 v13, v22;
	vm13 =	veq.s32 v7, $0x3;
	v3 =	vsel vm12, v12, v14  }
0x72: {  	vm14 =	veq.s32 v7, $0x4;
	v9 =	vmax.f32 v3, v58;
	v3 =	vmax.f32 v31, v24  }
0x73: {  	vm8 =	veq.s32 v7, $0x5;
	v32 =	vsel vm13, v14, v9;
	vm15 =	veq.f32 v24, v3  }
0x74: {  	vm6 =	veq.f32 v22, v3;
	vm7 =	veq.f32 v21, v3;
	vm9 =	veq.f32 v20, v3  }
0x75: {  	vm10 =	vne.f32 v62, v3;
	vm11 =	veq.f32 v28, v3;
	v33 =	vsel vm15, $0x7, v0  }
0x76: {  	vm12 =	veq.f32 v63, v3;
	v12 =	vmax.f32 v32, v15;
	v13 =	vsel vm6, $0x6, v33  }
0x77: {  	vm13 =	veq.f32 v19, v3;
	v9 =	vsel vm14, v9, v12;
	v13 =	vsel vm7, $0x5, v13  }
0x78: {  	v43 =	vld [tilespmem:$0x2C0];
	vm15 =	veq.s32 v7, $0x6;
	v9 =	vmax.f32 v9, v59;
	v13 =	vsel vm9, $0x4, v13  }
0x79: {  	v44 =	vld [tilespmem:$0x340];
	vm14 =	vmand vm10, vm12;
	v12 =	vsel vm8, v12, v9;
	v13 =	vsel vm11, $0x3, v13  }
0x7a: {  	v47 =	vld [tilespmem:$0x3C0];
	vm6 =	veq.s32 v7, $0x7;
	v12 =	vmax.f32 v12, v16;
	v35 =	vsel vm13, $0x2, v13  }
0x7b: {  	v58 =	vld [tilespmem:$0x150];
	v6 =	vsel vm14, v62, v23;
	v42 =	vsel vm15, v9, v12;
	v4 =	vsel vm12, $0x1, v35  }
0x7c: {  	v6 =	vsel vm10, v6, v63;
	v5 =	vmax.f32 v42, v60;
	v60 =	vld [tilespmem:$0x1D0];
	v38 =	vnsel vm10, $0x0, v4  }
0x7d: {  	v61 =	vld [tilespmem:$0x250];
	v40 =	vmax.f32 v6, v19;
	v4 =	vsel vm0, v8, v10;
	vm4 =	veq.s32 v38, $0x2  }
0x7e: {  	v62 =	vld [tilespmem:$0x2D0];
	v8 =	vmax.f32 v50, v43;
	vm5 =	veq.s32 v38, $0x3;
	v6 =	vsel vm4, v6, v40  }
0x7f: {  	v63 =	vld [tilespmem:$0x350];
	vm7 =	veq.s32 v38, $0x4;
	vm8 =	veq.s32 v38, $0x5;
	v6 =	vmax.f32 v6, v28  }
0x80: {  	v53 =	vmax.f32 v8, v44;
	v28 =	vmax.f32 v26, v58;
	v46 =	vsel vm5, v40, v6  }
0x81: {  	vm9 =	veq.s32 v38, $0x6;
	v28 =	vmax.f32 v28, v60;
	v7 =	vmax.f32 v46, v20  }
0x82: {  	vm0 =	veq.s32 v38, $0x7;
	v31 =	vmax.f32 v28, v61;
	v6 =	vsel vm7, v6, v7  }
0x83: {  	v32 =	vmax.f32 v31, v62;
	v51 =	vmax.f32 v6, v21;
	v6 =	vsel vm6, v12, v5  }
0x84: {  	v5 =	vmax.f32 v53, v47;
	v13 =	vmax.f32 v32, v63;
	v52 =	vsel vm8, v7, v51  }
0x85: {  	vm10 =	veq.f32 v47, v5;
	vm11 =	veq.f32 v44, v5;
	vm12 =	vne.f32 v34, v5  }
0x86: {  	v27 =	vld [tilespmem:$0x3D0];
	vm13 =	veq.f32 v43, v5;
	vm14 =	veq.f32 v36, v5;
	vm15 =	veq.f32 v41, v5  }
0x87: {  	vm8 =	veq.f32 v39, v5;
	v55 =	vmax.f32 v52, v22;
	v59 =	vsel vm10, $0x7, v0  }
0x88: {  	vm10 =	vmand vm12, vm14;
	v57 =	vsel vm9, v51, v55;
	v20 =	vsel vm11, $0x6, v59  }
0x89: {  	vm9 =	veq.f32 v37, v5;
	v11 =	vsel vm10, v34, v45;
	v20 =	vsel vm13, $0x5, v20  }
0x8a: {  	v51 =	vld [tilespmem:$0x170];
	v7 =	vmax.f32 v57, v24;
	v11 =	vsel vm12, v11, v36;
	v20 =	vsel vm15, $0x4, v20  }
0x8b: {  	v52 =	vld [tilespmem:$0x1F0];
	v33 =	vmax.f32 v11, v37;
	v8 =	vsel vm0, v55, v7;
	v7 =	vmax.f32 v13, v27  }
0x8c: {  	v20 =	vsel vm8, $0x3, v20;
	vm13 =	veq.f32 v27, v7;
	vm6 =	veq.f32 v62, v7  }
0x8d: {  	vm7 =	veq.f32 v61, v7;
	vm8 =	vne.f32 v54, v7;
	vm10 =	veq.f32 v56, v7  }
0x8e: {  	v20 =	vsel vm9, $0x2, v20;
	v35 =	vsel vm13, $0x7, v0;
	vm9 =	veq.f32 v60, v7  }
0x8f: {  	v20 =	vsel vm14, $0x1, v20;
	vm14 =	veq.f32 v63, v7;
	v32 =	vmax.f32 v30, v51  }
0x90: {  	v20 =	vnsel vm12, $0x0, v20;
	v14 =	vsel vm14, $0x6, v35;
	v32 =	vmax.f32 v32, v52  }
0x91: {  	vm11 =	veq.s32 v20, $0x2;
	vm12 =	veq.s32 v20, $0x3;
	vm15 =	veq.s32 v20, $0x4  }
0x92: {  	v29 =	vld [tilespmem:$0x370];
	v14 =	vsel vm6, $0x5, v14;
	vm13 =	veq.s32 v20, $0x5;
	v11 =	vsel vm11, v11, v33  }
0x93: {  	v42 =	vld [tilespmem:$0x2E0];
	vm5 =	veq.s32 v20, $0x7;
	v14 =	vsel vm7, $0x4, v14;
	v11 =	vmax.f32 v11, v39  }
0x94: {  	v40 =	vld [tilespmem:$0x1E0];
	vm11 =	veq.f32 v58, v7;
	v14 =	vsel vm9, $0x3, v14;
	v34 =	vsel vm12, v33, v11  }
0x95: {  	v36 =	vld [tilespmem:$0x60];
	v14 =	vsel vm11, $0x2, v14;
	vm12 =	vmand vm8, vm10;
	v13 =	vmax.f32 v34, v41  }
0x96: {  	v37 =	vld [tilespmem:$0xE0];
	v14 =	vsel vm10, $0x1, v14;
	v12 =	vsel vm12, v54, v26;
	v11 =	vsel vm15, v11, v13  }
0x97: {  	v39 =	vld [tilespmem:$0x160];
	v38 =	vnsel vm8, $0x0, v14;
	v12 =	vsel vm8, v12, v56;
	vm15 =	veq.s32 v20, $0x6  }
0x98: {  	v54 =	vld [tilespmem:$0x270];
	v9 =	vmax.f32 v11, v43;
	vm14 =	veq.s32 v38, $0x2;
	v17 =	vmax.f32 v12, v58  }
0x99: {  	v55 =	vld [tilespmem:$0x2F0];
	vm4 =	veq.s32 v38, $0x3;
	vm6 =	veq.s32 v38, $0x4;
	vm7 =	veq.s32 v38, $0x5  }
0x9a: {  	v41 =	vld [tilespmem:$0x260];
	vm8 =	veq.s32 v38, $0x6;
	v13 =	vsel vm13, v13, v9;
	v12 =	vsel vm14, v12, v17  }
0x9b: {  	v31 =	vld [tilespmem:$0x3F0];
	vm0 =	veq.s32 v38, $0x7;
	v10 =	vmax.f32 v13, v44;
	v12 =	vmax.f32 v12, v60  }
0x9c: {  	v43 =	vld [tilespmem:$0x360];
	v44 =	vmax.f32 v36, v37;
	v9 =	vsel vm15, v9, v10;
	v17 =	vsel vm4, v17, v12  }
0x9d: {  	v45 =	vld [tilespmem:$0x3E0];
	v46 =	vmax.f32 v44, v39;
	v32 =	vmax.f32 v32, v54;
	v17 =	vmax.f32 v17, v61  }
0x9e: {  	v9 =	vmax.f32 v9, v47;
	v47 =	vmax.f32 v46, v40;
	v32 =	vmax.f32 v32, v55  }
0x9f: {  	v12 =	vsel vm6, v12, v17;
	v16 =	vmax.f32 v47, v41;
	v9 =	vsel vm5, v10, v9  }
0xa0: {  	v32 =	vmax.f32 v32, v29;
	v12 =	vmax.f32 v12, v62;
	v16 =	vmax.f32 v16, v42  }
0xa1: {  	v32 =	vmax.f32 v32, v31;
	v50 =	vsel vm7, v17, v12;
	v16 =	vmax.f32 v16, v43  }
0xa2: {  	vm7 =	veq.f32 v31, v32;
	v10 =	vmax.f32 v50, v63;
	v53 =	vmax.f32 v16, v45  }
0xa3: {  	v58 =	vsel vm7, $0x7, v0;
	v12 =	vsel vm8, v12, v10;
	vm9 =	vne.f32 v36, v53  }
0xa4: {  	vm10 =	veq.f32 v45, v53;
	vm11 =	veq.f32 v43, v53;
	vm12 =	veq.f32 v42, v53  }
0xa5: {  	vm13 =	veq.f32 v41, v53;
	vm14 =	veq.f32 v40, v53;
	vm15 =	veq.f32 v39, v53  }
0xa6: {  	vm6 =	veq.f32 v37, v53;
	vm8 =	veq.f32 v29, v32;
	v56 =	vsel vm10, $0x7, v0  }
0xa7: {  	vm2 =	vmand vm9, vm6;
	vm10 =	veq.f32 v55, v32;
	v18 =	vsel vm8, $0x6, v58  }
0xa8: {  	v28 =	vsel vm11, $0x6, v56;
	v15 =	vsel vm2, v36, v44;
	vm11 =	veq.f32 v54, v32  }
0xa9: {  	v18 =	vsel vm10, $0x5, v18;
	v28 =	vsel vm12, $0x5, v28;
	v15 =	vsel vm9, v15, v37  }
0xaa: {  	vm12 =	vne.f32 v48, v32;
	v18 =	vsel vm11, $0x4, v18;
	v28 =	vsel vm13, $0x4, v28  }
0xab: {  	v14 =	vmax.f32 v15, v39;
	vm13 =	veq.f32 v52, v32;
	v28 =	vsel vm14, $0x3, v28  }
0xac: {  	vm14 =	veq.f32 v49, v32;
	v18 =	vsel vm13, $0x3, v18;
	v28 =	vsel vm15, $0x2, v28  }
0xad: {  	vm15 =	veq.f32 v51, v32;
	vm4 =	vmand vm12, vm14;
	v28 =	vsel vm6, $0x1, v28  }
0xae: {  	v18 =	vsel vm15, $0x2, v18;
	v59 =	vsel vm4, v48, v30;
	v57 =	vnsel vm9, $0x0, v28  }
0xaf: {  	[tilespmem:$0x410] =	vst v1;
	v18 =	vsel vm14, $0x1, v18;
	v1 =	vsel vm12, v59, v49;
	vm9 =	veq.s32 v57, $0x2  }
0xb0: {  	v18 =	vnsel vm12, $0x0, v18;
	vm5 =	veq.s32 v57, $0x3;
	v15 =	vsel vm9, v15, v14  }
0xb1: {  	[tilespmem:$0x420] =	vst v2;
	v61 =	vmax.f32 v1, v51;
	vm6 =	veq.s32 v18, $0x2;
	v15 =	vmax.f32 v15, v40  }
0xb2: {  	[tilespmem:$0x430] =	vst v3;
	vm7 =	veq.s32 v57, $0x4;
	v1 =	vsel vm6, v1, v61;
	v60 =	vsel vm5, v14, v15  }
0xb3: {  	[tilespmem:$0x490] =	vst v4;
	vm8 =	veq.s32 v18, $0x3;
	v1 =	vmax.f32 v1, v52;
	v2 =	vmax.f32 v60, v41  }
0xb4: {  	[tilespmem:$0x4A0] =	vst v6;
	v12 =	vmax.f32 v12, v27;
	v62 =	vsel vm8, v61, v1;
	v4 =	vsel vm7, v15, v2  }
0xb5: {  	[tilespmem:$0x440] =	vst v5;
	vm10 =	veq.s32 v18, $0x4;
	v3 =	vmax.f32 v4, v42;
	v4 =	vmax.f32 v62, v54  }
0xb6: {  	[tilespmem:$0x4B0] =	vst v8;
	v63 =	vsel vm0, v10, v12;
	vm9 =	veq.s32 v57, $0x5;
	v1 =	vsel vm10, v1, v4  }
0xb7: {  	[tilespmem:$0x450] =	vst v7;
	vm12 =	veq.s32 v18, $0x5;
	v2 =	vsel vm9, v2, v3;
	v1 =	vmax.f32 v1, v55  }
0xb8: {  	[tilespmem:$0x4C0] =	vst v9;
	vm11 =	veq.s32 v57, $0x6;
	v2 =	vmax.f32 v2, v43;
	v4 =	vsel vm12, v4, v1  }
0xb9: {  	[tilespmem:$0x470] =	vst v32;
	vm14 =	veq.s32 v18, $0x6;
	v3 =	vsel vm11, v3, v2;
	v4 =	vmax.f32 v4, v29  }
0xba: {  	[tilespmem:$0x460] =	vst v53;
	vm13 =	veq.s32 v57, $0x7;
	v3 =	vmax.f32 v3, v45;
	v1 =	vsel vm14, v1, v4  }
0xbb: {  	[tilespmem:$0x4D0] =	vst v63;
	vm15 =	veq.s32 v18, $0x7;
	v2 =	vsel vm13, v2, v3;
	v1 =	vmax.f32 v1, v31  }
0xbc: {  	[tilespmem:$0x4E0] =	vst v2;
	v1 =	vsel vm15, v4, v1  }
0xbd: {  	[tilespmem:$0x4F0] =	vst v1  }
0xbe: {  	[hbm4b:s6+s2] =	stream.linear.scatter [tilespmem:s10], [sflag:$0x1], $0x80, $0x38;
	[tilespmem:$0x600] =	vst v63  }
0xbf: {  	s8 =	sadd.s32 $0xFFFFFFFF, s8;
	_ =	swait.ge [sflag:s9], $0x80  }
0xc0: {  	p1 =	sne.s32 s8, $0x0;
	[sflag:s9] =	ssyncset.done $0x0  }
.Ltmp0:
0xc1: {  	[sflag:s9] =	ssyncadd.s32 $0xFFFFFF80;
	(pc) =	sbr.rel @p1 .LBB2_1-.Ltmp0, $4  }
0xc2: {  	[hbm4b:s7+s2] =	stream.linear.scatter [tilespmem:s11], [sflag:$0x1], $0x80, $0x38;
	[tilespmem:$0x600] =	vst v63  }
0xc3: {  	_ =	swait.ge [sflag:s9], $0x80  }
0xc4: {  	[sflag:s9] =	ssyncset.done $0x0  }
0xc5: {  	[sflag:s9] =	ssyncadd.s32 $0xFFFFFF80  }
0xc6: {  	_ =	sfence.sel $0x180000  }
0xc7: {  	[bflag:$0x0] =	sbarrier.arrive $0xFFFF  }
0xc8: {  	p0 =	sne.s32 s1, $0x0;
	_ =	strace $0x90000047  }
0xc9: {  	s0 =	sadd.s32 @!p0 $0x100000, s0;
	[bflag:$0x2] =	sbarrier.arrive $0xFFFF  }
0xca: {  	[sflag:s0] =	ssyncadd.tile.s32 @!p0 $0x1;
	_ =	shalt  }
.Lfunc_end2:
_tile_overlayer_lowered:
.L_overlay_start_2:
0xcb: {  	(tag) =	ssettag $0x2  }
0xcc: {  	s0 =	rddreg [dreg:$0x0];
	s2 =	stileid.u32  }
0xcd: {  	s1 =	rddreg [dreg:$0x1];
	p0 =	sne.s32 s2, $0x0  }
0xce: {  	s3 =	rddreg [dreg:$0x2];
	[bflag:$0x3] =	sbarrier.arrive $0xFFFF;
	s2 =	simm.s32 @!p0 $0x1C01  }
0xcf: {  	[timem:s3], [sflag:s2] =	dma.local @!p0 [hbm:s0], s1  }
0xd0: {  	s0 =	simm.s32 @!p0 $0x1  }
0xd1: {  	_ =	swait.ge @!p0 [sflag:s0], s1  }
0xd2: {  	s1 =	ssub.s32 @!p0 $0x0, s1;
	[sflag:s0] =	ssyncset.done @!p0 $0x0  }
0xd3: {  	[sflag:s0] =	ssyncadd.s32 @!p0 s1  }
0xd4: {  	[bflag:$0x3] =	sbarrier.arrive $0xFFFF  }
0xd5: {  	_ =	shalt  }

</sc_bundles>
